<compile_context>
chip_gen: v7x
topology: tpu7x:2x2x1
jax: 0.10.2.dev20260603
libtpu: 0.0.44.dev20260713+nightly
codegen_flags: <defaults>
</compile_context>

<pallas_src>
import functools

import jax
import jax.numpy as jnp
from jax import lax
from jax.experimental import pallas as pl
from jax.experimental.pallas import tpu as pltpu
from jax.experimental.pallas import tpu_sc as plsc

_INFO = plsc.get_sparse_core_info()
_NC = _INFO.num_cores
_NS = _INFO.num_subcores
_NW = _NC * _NS

_CH = 128
_NBUF = 4


@functools.partial(jax.jit, static_argnames=("n_chunks",))
def _gather_flat(idx, table, n_chunks):
    assert n_chunks % _NBUF == 0 and n_chunks >= 2 * _NBUF
    v, d = table.shape
    b_total = _NW * n_chunks * _CH
    mesh = plsc.VectorSubcoreMesh(core_axis_name="c", subcore_axis_name="s")

    @functools.partial(
        pl.kernel,
        mesh=mesh,
        out_type=jax.ShapeDtypeStruct((b_total, d), jnp.float32),
        scratch_types=[
            pltpu.VMEM((n_chunks, _CH), jnp.int32),
            pltpu.VMEM((_NBUF, _CH, d), jnp.float32),
        ]
        + [pltpu.SemaphoreType.DMA] * (2 * _NBUF),
        compiler_params=pltpu.CompilerParams(use_tc_tiling_on_sc=False),
    )
    def k(idx_hbm, table_hbm, out_hbm, idx_v, rows_v, *sems):
        gsems = sems[:_NBUF]
        ssems = sems[_NBUF:]
        wid = lax.axis_index("s") * _NC + lax.axis_index("c")
        base = wid * (n_chunks * _CH)

        pltpu.sync_copy(idx_hbm.at[wid], idx_v)

        def fire_gather(i, buf):
            pltpu.async_copy(
                table_hbm.at[idx_v.at[i]],
                rows_v.at[buf],
                gsems[buf],
            )

        def wait_gather(i, buf):
            pltpu.make_async_copy(
                table_hbm.at[idx_v.at[i]],
                rows_v.at[buf],
                gsems[buf],
            ).wait()

        def fire_store(i, buf):
            pltpu.async_copy(
                rows_v.at[buf],
                out_hbm.at[pl.ds(base + i * _CH, _CH)],
                ssems[buf],
            )

        def drain_store(buf):
            pltpu.make_async_copy(
                rows_v.at[buf],
                out_hbm.at[pl.ds(base, _CH)],
                ssems[buf],
            ).wait()

        for b in range(_NBUF):
            fire_gather(b, b)

        def body(g, _):
            for b in range(_NBUF):
                i = g * _NBUF + b
                pb = (b - 1) % _NBUF

                @pl.when(i >= 1)
                def _():
                    @pl.when(i - 1 + _NBUF < n_chunks)
                    def _():
                        drain_store(pb)
                        fire_gather(i - 1 + _NBUF, pb)

                wait_gather(i, b)
                fire_store(i, b)
            return 0

        lax.fori_loop(0, n_chunks // _NBUF, body, 0)
        for b in range(_NBUF):
            drain_store(b)

    return k(idx, table)


def kernel(x, weight):
    b0, s = x.shape
    v, d = weight.shape
    b = b0 * s
    xf = x.reshape(b).astype(jnp.int32)

    per_super = _NW * _CH * _NBUF
    b_pad = -(-b // per_super) * per_super
    if b_pad != b:
        xf = jnp.concatenate([xf, jnp.zeros((b_pad - b,), jnp.int32)])
    n_chunks = b_pad // (_NW * _CH)
    idx = xf.reshape(_NW, n_chunks, _CH)

    out = _gather_flat(idx, weight, n_chunks)
    out = out[:b]
    return out.reshape(b0, s, d)

# --- scband reference (transcript-rebuilt; emitter-appended) ---
"""Pipeline reference for scband-vocab-parallel-embedding-22608707846889 (READ-ONLY COPY).

The authoritative reference and input builder live on the scoring server;
editing this copy changes nothing except your own understanding.
"""

import jax, jax.numpy as jnp
import numpy as np

NUM_EMBEDDINGS = 1000000
EMBEDDING_DIM = 64

def setup_inputs(seed: int = 0) -> dict:
    key = jax.random.key(seed)
    k1, k2 = jax.random.split(key)
    x = jax.random.randint(k1, (4096, 200), 0, NUM_EMBEDDINGS, dtype=jnp.int64 if jax.config.jax_enable_x64 else jnp.int32)
    weight = jax.random.normal(k2, (NUM_EMBEDDINGS, EMBEDDING_DIM), dtype=jnp.float32) * 0.02
    return {"x": x, "weight": weight}

def reference(x, weight):
    # tp_size == 1 path: plain embedding lookup
    y = jnp.take(weight, x, axis=0)
    return y

if __name__ == "__main__":
    import jax
    _d = setup_inputs()
    print(jax.jit(kernel)(*tuple(_d.values())))

</pallas_src>

<mosaic_0001>
#map = affine_map<(d0, d1) -> (0, 0, 0)>
#map1 = affine_map<(d0, d1) -> (0, 0)>
module attributes {stable_mosaic.version = 14 : i64} {
  func.func @k(%arg0: i32, %arg1: i32, %arg2: memref<32x200x128xi32, #tpu.memory_space<hbm>>, %arg3: memref<1000000x64xf32, #tpu.memory_space<hbm>>, %arg4: memref<819200x64xf32, #tpu.memory_space<hbm>>, %arg5: memref<200x128xi32, #tpu.memory_space<vmem>>, %arg6: memref<4x128x64xf32, #tpu.memory_space<vmem>>, %arg7: memref<!tpu.dma_semaphore, #tpu.memory_space<semaphore_mem>>, %arg8: memref<!tpu.dma_semaphore, #tpu.memory_space<semaphore_mem>>, %arg9: memref<!tpu.dma_semaphore, #tpu.memory_space<semaphore_mem>>, %arg10: memref<!tpu.dma_semaphore, #tpu.memory_space<semaphore_mem>>, %arg11: memref<!tpu.dma_semaphore, #tpu.memory_space<semaphore_mem>>, %arg12: memref<!tpu.dma_semaphore, #tpu.memory_space<semaphore_mem>>, %arg13: memref<!tpu.dma_semaphore, #tpu.memory_space<semaphore_mem>>, %arg14: memref<!tpu.dma_semaphore, #tpu.memory_space<semaphore_mem>>) attributes {dimension_semantics = [#tpu.dimension_semantics<core_parallel>, #tpu.dimension_semantics<subcore_parallel>], iteration_bounds = array<i64: 2, 16>, scalar_prefetch = 0 : i64, scratch_operands = 10 : i64, tpu.core_type = #tpu.core_type<sc_vector_subcore>, window_params = [{transform_indices = #map}, {transform_indices = #map1}, {transform_indices = #map1}]} {
    %mul3A = arith.constant 2 : i32
    %mul3A_0 = arith.muli %arg1, %mul3A : i32
    %add3A = arith.addi %mul3A_0, %arg0 : i32
    %mul3A_1 = arith.constant 25600 : i32
    %mul3A_2 = arith.muli %add3A, %mul3A_1 : i32
    "tpu.region"() ({
      %run_scoped3A = tpu.sem_alloc : memref<!tpu.dma_semaphore, #tpu.memory_space<semaphore_mem>>
      %dma_start3A_107 = arith.constant 0 : i32
      %dma_start3A_108 = arith.constant 0 : i32
      %dma_start3A_109 = tpu.memref_slice %arg2[%add3A, %dma_start3A_107, %dma_start3A_108] : memref<32x200x128xi32, #tpu.memory_space<hbm>> -> memref<1x200x128xi32, #tpu.memory_space<hbm>>
      %dma_start3A_110 = tpu.memref_squeeze %dma_start3A_109 : memref<1x200x128xi32, #tpu.memory_space<hbm>> -> memref<200x128xi32, #tpu.memory_space<hbm>>
      %dma_start3A_111 = arith.constant 0 : i32
      %dma_start3A_112 = arith.constant 0 : i32
      %dma_start3A_113 = tpu.memref_slice %arg2[%add3A, %dma_start3A_111, %dma_start3A_112] : memref<32x200x128xi32, #tpu.memory_space<hbm>> -> memref<1x200x128xi32, #tpu.memory_space<hbm>>
      %dma_start3A_114 = tpu.memref_squeeze %dma_start3A_113 : memref<1x200x128xi32, #tpu.memory_space<hbm>> -> memref<200x128xi32, #tpu.memory_space<hbm>>
      tpu.enqueue_dma source(%dma_start3A_114 : memref<200x128xi32, #tpu.memory_space<hbm>>) target(%arg5 : memref<200x128xi32, #tpu.memory_space<vmem>>) target_semaphore(%run_scoped3A : memref<!tpu.dma_semaphore, #tpu.memory_space<semaphore_mem>>)
      %dma_wait3A_115 = arith.constant 0 : i32
      %dma_wait3A_116 = arith.constant 0 : i32
      %dma_wait3A_117 = tpu.memref_slice %arg2[%add3A, %dma_wait3A_115, %dma_wait3A_116] : memref<32x200x128xi32, #tpu.memory_space<hbm>> -> memref<1x200x128xi32, #tpu.memory_space<hbm>>
      %dma_wait3A_118 = tpu.memref_squeeze %dma_wait3A_117 : memref<1x200x128xi32, #tpu.memory_space<hbm>> -> memref<200x128xi32, #tpu.memory_space<hbm>>
      %dma_wait3A_119 = arith.constant 0 : i32
      %dma_wait3A_120 = arith.constant 0 : i32
      %dma_wait3A_121 = tpu.memref_slice %arg2[%add3A, %dma_wait3A_119, %dma_wait3A_120] : memref<32x200x128xi32, #tpu.memory_space<hbm>> -> memref<1x200x128xi32, #tpu.memory_space<hbm>>
      %dma_wait3A_122 = tpu.memref_squeeze %dma_wait3A_121 : memref<1x200x128xi32, #tpu.memory_space<hbm>> -> memref<200x128xi32, #tpu.memory_space<hbm>>
      tpu.wait_dma2 semaphore(%run_scoped3A : memref<!tpu.dma_semaphore, #tpu.memory_space<semaphore_mem>>) src(%dma_wait3A_122 : memref<200x128xi32, #tpu.memory_space<hbm>>) dst(%arg5 : memref<200x128xi32, #tpu.memory_space<vmem>>)
      tpu.yield
    }) : () -> ()
    %dma_start3A = arith.constant 0 : i32
    %dma_start3A_3 = arith.constant 0 : i32
    %dma_start3A_4 = arith.constant 0 : i32
    %dma_start3A_5 = arith.constant 0 : i32
    %dma_start3A_6 = tpu.memref_slice %arg6[%dma_start3A_3, %dma_start3A_4, %dma_start3A_5] : memref<4x128x64xf32, #tpu.memory_space<vmem>> -> memref<1x128x64xf32, #tpu.memory_space<vmem>>
    %dma_start3A_7 = tpu.memref_squeeze %dma_start3A_6 : memref<1x128x64xf32, #tpu.memory_space<vmem>> -> memref<128x64xf32, #tpu.memory_space<vmem>>
    %dma_start3A_8 = arith.constant 0 : i32
    %dma_start3A_9 = tpu.memref_slice %arg5[%dma_start3A, %dma_start3A_8] : memref<200x128xi32, #tpu.memory_space<vmem>> -> memref<1x128xi32, #tpu.memory_space<vmem>>
    %dma_start3A_10 = tpu.memref_squeeze %dma_start3A_9 : memref<1x128xi32, #tpu.memory_space<vmem>> -> memref<128xi32, #tpu.memory_space<vmem>>
    %dma_start3A_11 = arith.constant 0 : i32
    %dma_start3A_12 = arith.constant 0 : i32
    %dma_start3A_13 = tpu.memref_slice %arg3[%dma_start3A_11, %dma_start3A_12] : memref<1000000x64xf32, #tpu.memory_space<hbm>> -> memref<1000000x64xf32, #tpu.memory_space<hbm>>
    tpu.enqueue_indirect_dma source(%dma_start3A_13 : memref<1000000x64xf32, #tpu.memory_space<hbm>>) target(%dma_start3A_7 : memref<128x64xf32, #tpu.memory_space<vmem>>) offsets(%dma_start3A_10 : memref<128xi32, #tpu.memory_space<vmem>>) semaphore(%arg7 : memref<!tpu.dma_semaphore, #tpu.memory_space<semaphore_mem>>)
    %dma_start3A_14 = arith.constant 1 : i32
    %dma_start3A_15 = arith.constant 1 : i32
    %dma_start3A_16 = arith.constant 0 : i32
    %dma_start3A_17 = arith.constant 0 : i32
    %dma_start3A_18 = tpu.memref_slice %arg6[%dma_start3A_15, %dma_start3A_16, %dma_start3A_17] : memref<4x128x64xf32, #tpu.memory_space<vmem>> -> memref<1x128x64xf32, #tpu.memory_space<vmem>>
    %dma_start3A_19 = tpu.memref_squeeze %dma_start3A_18 : memref<1x128x64xf32, #tpu.memory_space<vmem>> -> memref<128x64xf32, #tpu.memory_space<vmem>>
    %dma_start3A_20 = arith.constant 0 : i32
    %dma_start3A_21 = tpu.memref_slice %arg5[%dma_start3A_14, %dma_start3A_20] : memref<200x128xi32, #tpu.memory_space<vmem>> -> memref<1x128xi32, #tpu.memory_space<vmem>>
    %dma_start3A_22 = tpu.memref_squeeze %dma_start3A_21 : memref<1x128xi32, #tpu.memory_space<vmem>> -> memref<128xi32, #tpu.memory_space<vmem>>
    %dma_start3A_23 = arith.constant 0 : i32
    %dma_start3A_24 = arith.constant 0 : i32
    %dma_start3A_25 = tpu.memref_slice %arg3[%dma_start3A_23, %dma_start3A_24] : memref<1000000x64xf32, #tpu.memory_space<hbm>> -> memref<1000000x64xf32, #tpu.memory_space<hbm>>
    tpu.enqueue_indirect_dma source(%dma_start3A_25 : memref<1000000x64xf32, #tpu.memory_space<hbm>>) target(%dma_start3A_19 : memref<128x64xf32, #tpu.memory_space<vmem>>) offsets(%dma_start3A_22 : memref<128xi32, #tpu.memory_space<vmem>>) semaphore(%arg8 : memref<!tpu.dma_semaphore, #tpu.memory_space<semaphore_mem>>)
    %dma_start3A_26 = arith.constant 2 : i32
    %dma_start3A_27 = arith.constant 2 : i32
    %dma_start3A_28 = arith.constant 0 : i32
    %dma_start3A_29 = arith.constant 0 : i32
    %dma_start3A_30 = tpu.memref_slice %arg6[%dma_start3A_27, %dma_start3A_28, %dma_start3A_29] : memref<4x128x64xf32, #tpu.memory_space<vmem>> -> memref<1x128x64xf32, #tpu.memory_space<vmem>>
    %dma_start3A_31 = tpu.memref_squeeze %dma_start3A_30 : memref<1x128x64xf32, #tpu.memory_space<vmem>> -> memref<128x64xf32, #tpu.memory_space<vmem>>
    %dma_start3A_32 = arith.constant 0 : i32
    %dma_start3A_33 = tpu.memref_slice %arg5[%dma_start3A_26, %dma_start3A_32] : memref<200x128xi32, #tpu.memory_space<vmem>> -> memref<1x128xi32, #tpu.memory_space<vmem>>
    %dma_start3A_34 = tpu.memref_squeeze %dma_start3A_33 : memref<1x128xi32, #tpu.memory_space<vmem>> -> memref<128xi32, #tpu.memory_space<vmem>>
    %dma_start3A_35 = arith.constant 0 : i32
    %dma_start3A_36 = arith.constant 0 : i32
    %dma_start3A_37 = tpu.memref_slice %arg3[%dma_start3A_35, %dma_start3A_36] : memref<1000000x64xf32, #tpu.memory_space<hbm>> -> memref<1000000x64xf32, #tpu.memory_space<hbm>>
    tpu.enqueue_indirect_dma source(%dma_start3A_37 : memref<1000000x64xf32, #tpu.memory_space<hbm>>) target(%dma_start3A_31 : memref<128x64xf32, #tpu.memory_space<vmem>>) offsets(%dma_start3A_34 : memref<128xi32, #tpu.memory_space<vmem>>) semaphore(%arg9 : memref<!tpu.dma_semaphore, #tpu.memory_space<semaphore_mem>>)
    %dma_start3A_38 = arith.constant 3 : i32
    %dma_start3A_39 = arith.constant 3 : i32
    %dma_start3A_40 = arith.constant 0 : i32
    %dma_start3A_41 = arith.constant 0 : i32
    %dma_start3A_42 = tpu.memref_slice %arg6[%dma_start3A_39, %dma_start3A_40, %dma_start3A_41] : memref<4x128x64xf32, #tpu.memory_space<vmem>> -> memref<1x128x64xf32, #tpu.memory_space<vmem>>
    %dma_start3A_43 = tpu.memref_squeeze %dma_start3A_42 : memref<1x128x64xf32, #tpu.memory_space<vmem>> -> memref<128x64xf32, #tpu.memory_space<vmem>>
    %dma_start3A_44 = arith.constant 0 : i32
    %dma_start3A_45 = tpu.memref_slice %arg5[%dma_start3A_38, %dma_start3A_44] : memref<200x128xi32, #tpu.memory_space<vmem>> -> memref<1x128xi32, #tpu.memory_space<vmem>>
    %dma_start3A_46 = tpu.memref_squeeze %dma_start3A_45 : memref<1x128xi32, #tpu.memory_space<vmem>> -> memref<128xi32, #tpu.memory_space<vmem>>
    %dma_start3A_47 = arith.constant 0 : i32
    %dma_start3A_48 = arith.constant 0 : i32
    %dma_start3A_49 = tpu.memref_slice %arg3[%dma_start3A_47, %dma_start3A_48] : memref<1000000x64xf32, #tpu.memory_space<hbm>> -> memref<1000000x64xf32, #tpu.memory_space<hbm>>
    tpu.enqueue_indirect_dma source(%dma_start3A_49 : memref<1000000x64xf32, #tpu.memory_space<hbm>>) target(%dma_start3A_43 : memref<128x64xf32, #tpu.memory_space<vmem>>) offsets(%dma_start3A_46 : memref<128xi32, #tpu.memory_space<vmem>>) semaphore(%arg10 : memref<!tpu.dma_semaphore, #tpu.memory_space<semaphore_mem>>)
    %scan3A = arith.constant 0 : i32
    %scan3A_50 = arith.constant 0 : i32
    %scan3A_51 = arith.constant 50 : i32
    %scan3A_52 = arith.addi %scan3A_50, %scan3A_51 : i32
    %scan3A_53 = arith.constant 1 : i32
    %scan3A_54 = scf.for %scan3A_107 = %scan3A_50 to %scan3A_52 step %scan3A_53 iter_args(%scan3A_108 = %scan3A) -> (i32)  : i32 {
      %mul3A_109 = arith.constant 4 : i32
      %mul3A_110 = arith.muli %scan3A_107, %mul3A_109 : i32
      %add3A_111 = arith.constant 0 : i32
      %add3A_112 = arith.addi %mul3A_110, %add3A_111 : i32
      %ge3A = arith.constant 1 : i32
      %ge3A_113 = arith.cmpi sge, %add3A_112, %ge3A : i32
      %convert_element_type3A = arith.extui %ge3A_113 : i1 to i32
      %cond3A = arith.constant 0 : i32
      %cond3A_114 = arith.cmpi ne, %convert_element_type3A, %cond3A : i32
      scf.if %cond3A_114 {
        %sub3A = arith.constant 1 : i32
        %sub3A_251 = arith.subi %add3A_112, %sub3A : i32
        %add3A_252 = arith.constant 4 : i32
        %add3A_253 = arith.addi %sub3A_251, %add3A_252 : i32
        %lt3A = arith.constant 200 : i32
        %lt3A_254 = arith.cmpi slt, %add3A_253, %lt3A : i32
        %convert_element_type3A_255 = arith.extui %lt3A_254 : i1 to i32
        %cond3A_256 = arith.constant 0 : i32
        %cond3A_257 = arith.cmpi ne, %convert_element_type3A_255, %cond3A_256 : i32
        scf.if %cond3A_257 {
          %dma_wait3A_258 = arith.constant 3 : i32
          %dma_wait3A_259 = arith.constant 0 : i32
          %dma_wait3A_260 = arith.constant 0 : i32
          %dma_wait3A_261 = tpu.memref_slice %arg6[%dma_wait3A_258, %dma_wait3A_259, %dma_wait3A_260] : memref<4x128x64xf32, #tpu.memory_space<vmem>> -> memref<1x128x64xf32, #tpu.memory_space<vmem>>
          %dma_wait3A_262 = tpu.memref_squeeze %dma_wait3A_261 : memref<1x128x64xf32, #tpu.memory_space<vmem>> -> memref<128x64xf32, #tpu.memory_space<vmem>>
          %dma_wait3A_263 = arith.constant 0 : i32
          %dma_wait3A_264 = tpu.memref_slice %arg4[%mul3A_2, %dma_wait3A_263] : memref<819200x64xf32, #tpu.memory_space<hbm>> -> memref<128x64xf32, #tpu.memory_space<hbm>>
          %dma_wait3A_265 = arith.constant 0 : i32
          %dma_wait3A_266 = tpu.memref_slice %arg4[%mul3A_2, %dma_wait3A_265] : memref<819200x64xf32, #tpu.memory_space<hbm>> -> memref<128x64xf32, #tpu.memory_space<hbm>>
          %dma_wait3A_267 = arith.constant 0 : i32
          %dma_wait3A_268 = arith.constant 0 : i32
          %dma_wait3A_269 = tpu.memref_slice %arg6[%dma_wait3A_258, %dma_wait3A_267, %dma_wait3A_268] : memref<4x128x64xf32, #tpu.memory_space<vmem>> -> memref<1x128x64xf32, #tpu.memory_space<vmem>>
          %dma_wait3A_270 = tpu.memref_squeeze %dma_wait3A_269 : memref<1x128x64xf32, #tpu.memory_space<vmem>> -> memref<128x64xf32, #tpu.memory_space<vmem>>
          tpu.wait_dma2 semaphore(%arg14 : memref<!tpu.dma_semaphore, #tpu.memory_space<semaphore_mem>>) src(%dma_wait3A_270 : memref<128x64xf32, #tpu.memory_space<vmem>>) dst(%dma_wait3A_266 : memref<128x64xf32, #tpu.memory_space<hbm>>)
          %sub3A_271 = arith.constant 1 : i32
          %sub3A_272 = arith.subi %add3A_112, %sub3A_271 : i32
          %add3A_273 = arith.constant 4 : i32
          %add3A_274 = arith.addi %sub3A_272, %add3A_273 : i32
          %dma_start3A_275 = arith.constant 3 : i32
          %dma_start3A_276 = arith.constant 0 : i32
          %dma_start3A_277 = arith.constant 0 : i32
          %dma_start3A_278 = tpu.memref_slice %arg6[%dma_start3A_275, %dma_start3A_276, %dma_start3A_277] : memref<4x128x64xf32, #tpu.memory_space<vmem>> -> memref<1x128x64xf32, #tpu.memory_space<vmem>>
          %dma_start3A_279 = tpu.memref_squeeze %dma_start3A_278 : memref<1x128x64xf32, #tpu.memory_space<vmem>> -> memref<128x64xf32, #tpu.memory_space<vmem>>
          %dma_start3A_280 = arith.constant 0 : i32
          %dma_start3A_281 = tpu.memref_slice %arg5[%add3A_274, %dma_start3A_280] : memref<200x128xi32, #tpu.memory_space<vmem>> -> memref<1x128xi32, #tpu.memory_space<vmem>>
          %dma_start3A_282 = tpu.memref_squeeze %dma_start3A_281 : memref<1x128xi32, #tpu.memory_space<vmem>> -> memref<128xi32, #tpu.memory_space<vmem>>
          %dma_start3A_283 = arith.constant 0 : i32
          %dma_start3A_284 = arith.constant 0 : i32
          %dma_start3A_285 = tpu.memref_slice %arg3[%dma_start3A_283, %dma_start3A_284] : memref<1000000x64xf32, #tpu.memory_space<hbm>> -> memref<1000000x64xf32, #tpu.memory_space<hbm>>
          tpu.enqueue_indirect_dma source(%dma_start3A_285 : memref<1000000x64xf32, #tpu.memory_space<hbm>>) target(%dma_start3A_279 : memref<128x64xf32, #tpu.memory_space<vmem>>) offsets(%dma_start3A_282 : memref<128xi32, #tpu.memory_space<vmem>>) semaphore(%arg10 : memref<!tpu.dma_semaphore, #tpu.memory_space<semaphore_mem>>)
        } else {
        }
      } else {
      }
      %dma_wait3A_115 = arith.constant 0 : i32
      %dma_wait3A_116 = arith.constant 0 : i32
      %dma_wait3A_117 = arith.constant 0 : i32
      %dma_wait3A_118 = tpu.memref_slice %arg6[%dma_wait3A_115, %dma_wait3A_116, %dma_wait3A_117] : memref<4x128x64xf32, #tpu.memory_space<vmem>> -> memref<1x128x64xf32, #tpu.memory_space<vmem>>
      %dma_wait3A_119 = tpu.memref_squeeze %dma_wait3A_118 : memref<1x128x64xf32, #tpu.memory_space<vmem>> -> memref<128x64xf32, #tpu.memory_space<vmem>>
      %dma_wait3A_120 = arith.constant 0 : i32
      %dma_wait3A_121 = tpu.memref_slice %arg5[%add3A_112, %dma_wait3A_120] : memref<200x128xi32, #tpu.memory_space<vmem>> -> memref<1x128xi32, #tpu.memory_space<vmem>>
      %dma_wait3A_122 = tpu.memref_squeeze %dma_wait3A_121 : memref<1x128xi32, #tpu.memory_space<vmem>> -> memref<128xi32, #tpu.memory_space<vmem>>
      %dma_wait3A_123 = arith.constant 0 : i32
      %dma_wait3A_124 = arith.constant 0 : i32
      %dma_wait3A_125 = tpu.memref_slice %arg3[%dma_wait3A_123, %dma_wait3A_124] : memref<1000000x64xf32, #tpu.memory_space<hbm>> -> memref<1000000x64xf32, #tpu.memory_space<hbm>>
      tpu.wait_indirect_dma semaphore(%arg7 : memref<!tpu.dma_semaphore, #tpu.memory_space<semaphore_mem>>) src(%dma_wait3A_125 : memref<1000000x64xf32, #tpu.memory_space<hbm>>) dst(%dma_wait3A_119 : memref<128x64xf32, #tpu.memory_space<vmem>>)
      %mul3A_126 = arith.constant 128 : i32
      %mul3A_127 = arith.muli %add3A_112, %mul3A_126 : i32
      %add3A_128 = arith.addi %mul3A_2, %mul3A_127 : i32
      %dma_start3A_129 = arith.constant 0 : i32
      %dma_start3A_130 = arith.constant 0 : i32
      %dma_start3A_131 = arith.constant 0 : i32
      %dma_start3A_132 = tpu.memref_slice %arg6[%dma_start3A_129, %dma_start3A_130, %dma_start3A_131] : memref<4x128x64xf32, #tpu.memory_space<vmem>> -> memref<1x128x64xf32, #tpu.memory_space<vmem>>
      %dma_start3A_133 = tpu.memref_squeeze %dma_start3A_132 : memref<1x128x64xf32, #tpu.memory_space<vmem>> -> memref<128x64xf32, #tpu.memory_space<vmem>>
      %dma_start3A_134 = arith.constant 0 : i32
      %dma_start3A_135 = tpu.memref_slice %arg4[%add3A_128, %dma_start3A_134] : memref<819200x64xf32, #tpu.memory_space<hbm>> -> memref<128x64xf32, #tpu.memory_space<hbm>>
      %dma_start3A_136 = arith.constant 0 : i32
      %dma_start3A_137 = tpu.memref_slice %arg4[%add3A_128, %dma_start3A_136] : memref<819200x64xf32, #tpu.memory_space<hbm>> -> memref<128x64xf32, #tpu.memory_space<hbm>>
      %dma_start3A_138 = arith.constant 0 : i32
      %dma_start3A_139 = arith.constant 0 : i32
      %dma_start3A_140 = tpu.memref_slice %arg6[%dma_start3A_129, %dma_start3A_138, %dma_start3A_139] : memref<4x128x64xf32, #tpu.memory_space<vmem>> -> memref<1x128x64xf32, #tpu.memory_space<vmem>>
      %dma_start3A_141 = tpu.memref_squeeze %dma_start3A_140 : memref<1x128x64xf32, #tpu.memory_space<vmem>> -> memref<128x64xf32, #tpu.memory_space<vmem>>
      tpu.enqueue_dma source(%dma_start3A_141 : memref<128x64xf32, #tpu.memory_space<vmem>>) target(%dma_start3A_137 : memref<128x64xf32, #tpu.memory_space<hbm>>) target_semaphore(%arg11 : memref<!tpu.dma_semaphore, #tpu.memory_space<semaphore_mem>>)
      %mul3A_142 = arith.constant 4 : i32
      %mul3A_143 = arith.muli %scan3A_107, %mul3A_142 : i32
      %add3A_144 = arith.constant 1 : i32
      %add3A_145 = arith.addi %mul3A_143, %add3A_144 : i32
      %ge3A_146 = arith.constant 1 : i32
      %ge3A_147 = arith.cmpi sge, %add3A_145, %ge3A_146 : i32
      %convert_element_type3A_148 = arith.extui %ge3A_147 : i1 to i32
      %cond3A_149 = arith.constant 0 : i32
      %cond3A_150 = arith.cmpi ne, %convert_element_type3A_148, %cond3A_149 : i32
      scf.if %cond3A_150 {
        %sub3A = arith.constant 1 : i32
        %sub3A_251 = arith.subi %add3A_145, %sub3A : i32
        %add3A_252 = arith.constant 4 : i32
        %add3A_253 = arith.addi %sub3A_251, %add3A_252 : i32
        %lt3A = arith.constant 200 : i32
        %lt3A_254 = arith.cmpi slt, %add3A_253, %lt3A : i32
        %convert_element_type3A_255 = arith.extui %lt3A_254 : i1 to i32
        %cond3A_256 = arith.constant 0 : i32
        %cond3A_257 = arith.cmpi ne, %convert_element_type3A_255, %cond3A_256 : i32
        scf.if %cond3A_257 {
          %dma_wait3A_258 = arith.constant 0 : i32
          %dma_wait3A_259 = arith.constant 0 : i32
          %dma_wait3A_260 = arith.constant 0 : i32
          %dma_wait3A_261 = tpu.memref_slice %arg6[%dma_wait3A_258, %dma_wait3A_259, %dma_wait3A_260] : memref<4x128x64xf32, #tpu.memory_space<vmem>> -> memref<1x128x64xf32, #tpu.memory_space<vmem>>
          %dma_wait3A_262 = tpu.memref_squeeze %dma_wait3A_261 : memref<1x128x64xf32, #tpu.memory_space<vmem>> -> memref<128x64xf32, #tpu.memory_space<vmem>>
          %dma_wait3A_263 = arith.constant 0 : i32
          %dma_wait3A_264 = tpu.memref_slice %arg4[%mul3A_2, %dma_wait3A_263] : memref<819200x64xf32, #tpu.memory_space<hbm>> -> memref<128x64xf32, #tpu.memory_space<hbm>>
          %dma_wait3A_265 = arith.constant 0 : i32
          %dma_wait3A_266 = tpu.memref_slice %arg4[%mul3A_2, %dma_wait3A_265] : memref<819200x64xf32, #tpu.memory_space<hbm>> -> memref<128x64xf32, #tpu.memory_space<hbm>>
          %dma_wait3A_267 = arith.constant 0 : i32
          %dma_wait3A_268 = arith.constant 0 : i32
          %dma_wait3A_269 = tpu.memref_slice %arg6[%dma_wait3A_258, %dma_wait3A_267, %dma_wait3A_268] : memref<4x128x64xf32, #tpu.memory_space<vmem>> -> memref<1x128x64xf32, #tpu.memory_space<vmem>>
          %dma_wait3A_270 = tpu.memref_squeeze %dma_wait3A_269 : memref<1x128x64xf32, #tpu.memory_space<vmem>> -> memref<128x64xf32, #tpu.memory_space<vmem>>
          tpu.wait_dma2 semaphore(%arg11 : memref<!tpu.dma_semaphore, #tpu.memory_space<semaphore_mem>>) src(%dma_wait3A_270 : memref<128x64xf32, #tpu.memory_space<vmem>>) dst(%dma_wait3A_266 : memref<128x64xf32, #tpu.memory_space<hbm>>)
          %sub3A_271 = arith.constant 1 : i32
          %sub3A_272 = arith.subi %add3A_145, %sub3A_271 : i32
          %add3A_273 = arith.constant 4 : i32
          %add3A_274 = arith.addi %sub3A_272, %add3A_273 : i32
          %dma_start3A_275 = arith.constant 0 : i32
          %dma_start3A_276 = arith.constant 0 : i32
          %dma_start3A_277 = arith.constant 0 : i32
          %dma_start3A_278 = tpu.memref_slice %arg6[%dma_start3A_275, %dma_start3A_276, %dma_start3A_277] : memref<4x128x64xf32, #tpu.memory_space<vmem>> -> memref<1x128x64xf32, #tpu.memory_space<vmem>>
          %dma_start3A_279 = tpu.memref_squeeze %dma_start3A_278 : memref<1x128x64xf32, #tpu.memory_space<vmem>> -> memref<128x64xf32, #tpu.memory_space<vmem>>
          %dma_start3A_280 = arith.constant 0 : i32
          %dma_start3A_281 = tpu.memref_slice %arg5[%add3A_274, %dma_start3A_280] : memref<200x128xi32, #tpu.memory_space<vmem>> -> memref<1x128xi32, #tpu.memory_space<vmem>>
          %dma_start3A_282 = tpu.memref_squeeze %dma_start3A_281 : memref<1x128xi32, #tpu.memory_space<vmem>> -> memref<128xi32, #tpu.memory_space<vmem>>
          %dma_start3A_283 = arith.constant 0 : i32
          %dma_start3A_284 = arith.constant 0 : i32
          %dma_start3A_285 = tpu.memref_slice %arg3[%dma_start3A_283, %dma_start3A_284] : memref<1000000x64xf32, #tpu.memory_space<hbm>> -> memref<1000000x64xf32, #tpu.memory_space<hbm>>
          tpu.enqueue_indirect_dma source(%dma_start3A_285 : memref<1000000x64xf32, #tpu.memory_space<hbm>>) target(%dma_start3A_279 : memref<128x64xf32, #tpu.memory_space<vmem>>) offsets(%dma_start3A_282 : memref<128xi32, #tpu.memory_space<vmem>>) semaphore(%arg7 : memref<!tpu.dma_semaphore, #tpu.memory_space<semaphore_mem>>)
        } else {
        }
      } else {
      }
      %dma_wait3A_151 = arith.constant 1 : i32
      %dma_wait3A_152 = arith.constant 0 : i32
      %dma_wait3A_153 = arith.constant 0 : i32
      %dma_wait3A_154 = tpu.memref_slice %arg6[%dma_wait3A_151, %dma_wait3A_152, %dma_wait3A_153] : memref<4x128x64xf32, #tpu.memory_space<vmem>> -> memref<1x128x64xf32, #tpu.memory_space<vmem>>
      %dma_wait3A_155 = tpu.memref_squeeze %dma_wait3A_154 : memref<1x128x64xf32, #tpu.memory_space<vmem>> -> memref<128x64xf32, #tpu.memory_space<vmem>>
      %dma_wait3A_156 = arith.constant 0 : i32
      %dma_wait3A_157 = tpu.memref_slice %arg5[%add3A_145, %dma_wait3A_156] : memref<200x128xi32, #tpu.memory_space<vmem>> -> memref<1x128xi32, #tpu.memory_space<vmem>>
      %dma_wait3A_158 = tpu.memref_squeeze %dma_wait3A_157 : memref<1x128xi32, #tpu.memory_space<vmem>> -> memref<128xi32, #tpu.memory_space<vmem>>
      %dma_wait3A_159 = arith.constant 0 : i32
      %dma_wait3A_160 = arith.constant 0 : i32
      %dma_wait3A_161 = tpu.memref_slice %arg3[%dma_wait3A_159, %dma_wait3A_160] : memref<1000000x64xf32, #tpu.memory_space<hbm>> -> memref<1000000x64xf32, #tpu.memory_space<hbm>>
      tpu.wait_indirect_dma semaphore(%arg8 : memref<!tpu.dma_semaphore, #tpu.memory_space<semaphore_mem>>) src(%dma_wait3A_161 : memref<1000000x64xf32, #tpu.memory_space<hbm>>) dst(%dma_wait3A_155 : memref<128x64xf32, #tpu.memory_space<vmem>>)
      %mul3A_162 = arith.constant 128 : i32
      %mul3A_163 = arith.muli %add3A_145, %mul3A_162 : i32
      %add3A_164 = arith.addi %mul3A_2, %mul3A_163 : i32
      %dma_start3A_165 = arith.constant 1 : i32
      %dma_start3A_166 = arith.constant 0 : i32
      %dma_start3A_167 = arith.constant 0 : i32
      %dma_start3A_168 = tpu.memref_slice %arg6[%dma_start3A_165, %dma_start3A_166, %dma_start3A_167] : memref<4x128x64xf32, #tpu.memory_space<vmem>> -> memref<1x128x64xf32, #tpu.memory_space<vmem>>
      %dma_start3A_169 = tpu.memref_squeeze %dma_start3A_168 : memref<1x128x64xf32, #tpu.memory_space<vmem>> -> memref<128x64xf32, #tpu.memory_space<vmem>>
      %dma_start3A_170 = arith.constant 0 : i32
      %dma_start3A_171 = tpu.memref_slice %arg4[%add3A_164, %dma_start3A_170] : memref<819200x64xf32, #tpu.memory_space<hbm>> -> memref<128x64xf32, #tpu.memory_space<hbm>>
      %dma_start3A_172 = arith.constant 0 : i32
      %dma_start3A_173 = tpu.memref_slice %arg4[%add3A_164, %dma_start3A_172] : memref<819200x64xf32, #tpu.memory_space<hbm>> -> memref<128x64xf32, #tpu.memory_space<hbm>>
      %dma_start3A_174 = arith.constant 0 : i32
      %dma_start3A_175 = arith.constant 0 : i32
      %dma_start3A_176 = tpu.memref_slice %arg6[%dma_start3A_165, %dma_start3A_174, %dma_start3A_175] : memref<4x128x64xf32, #tpu.memory_space<vmem>> -> memref<1x128x64xf32, #tpu.memory_space<vmem>>
      %dma_start3A_177 = tpu.memref_squeeze %dma_start3A_176 : memref<1x128x64xf32, #tpu.memory_space<vmem>> -> memref<128x64xf32, #tpu.memory_space<vmem>>
      tpu.enqueue_dma source(%dma_start3A_177 : memref<128x64xf32, #tpu.memory_space<vmem>>) target(%dma_start3A_173 : memref<128x64xf32, #tpu.memory_space<hbm>>) target_semaphore(%arg12 : memref<!tpu.dma_semaphore, #tpu.memory_space<semaphore_mem>>)
      %mul3A_178 = arith.constant 4 : i32
      %mul3A_179 = arith.muli %scan3A_107, %mul3A_178 : i32
      %add3A_180 = arith.constant 2 : i32
      %add3A_181 = arith.addi %mul3A_179, %add3A_180 : i32
      %ge3A_182 = arith.constant 1 : i32
      %ge3A_183 = arith.cmpi sge, %add3A_181, %ge3A_182 : i32
      %convert_element_type3A_184 = arith.extui %ge3A_183 : i1 to i32
      %cond3A_185 = arith.constant 0 : i32
      %cond3A_186 = arith.cmpi ne, %convert_element_type3A_184, %cond3A_185 : i32
      scf.if %cond3A_186 {
        %sub3A = arith.constant 1 : i32
        %sub3A_251 = arith.subi %add3A_181, %sub3A : i32
        %add3A_252 = arith.constant 4 : i32
        %add3A_253 = arith.addi %sub3A_251, %add3A_252 : i32
        %lt3A = arith.constant 200 : i32
        %lt3A_254 = arith.cmpi slt, %add3A_253, %lt3A : i32
        %convert_element_type3A_255 = arith.extui %lt3A_254 : i1 to i32
        %cond3A_256 = arith.constant 0 : i32
        %cond3A_257 = arith.cmpi ne, %convert_element_type3A_255, %cond3A_256 : i32
        scf.if %cond3A_257 {
          %dma_wait3A_258 = arith.constant 1 : i32
          %dma_wait3A_259 = arith.constant 0 : i32
          %dma_wait3A_260 = arith.constant 0 : i32
          %dma_wait3A_261 = tpu.memref_slice %arg6[%dma_wait3A_258, %dma_wait3A_259, %dma_wait3A_260] : memref<4x128x64xf32, #tpu.memory_space<vmem>> -> memref<1x128x64xf32, #tpu.memory_space<vmem>>
          %dma_wait3A_262 = tpu.memref_squeeze %dma_wait3A_261 : memref<1x128x64xf32, #tpu.memory_space<vmem>> -> memref<128x64xf32, #tpu.memory_space<vmem>>
          %dma_wait3A_263 = arith.constant 0 : i32
          %dma_wait3A_264 = tpu.memref_slice %arg4[%mul3A_2, %dma_wait3A_263] : memref<819200x64xf32, #tpu.memory_space<hbm>> -> memref<128x64xf32, #tpu.memory_space<hbm>>
          %dma_wait3A_265 = arith.constant 0 : i32
          %dma_wait3A_266 = tpu.memref_slice %arg4[%mul3A_2, %dma_wait3A_265] : memref<819200x64xf32, #tpu.memory_space<hbm>> -> memref<128x64xf32, #tpu.memory_space<hbm>>
          %dma_wait3A_267 = arith.constant 0 : i32
          %dma_wait3A_268 = arith.constant 0 : i32
          %dma_wait3A_269 = tpu.memref_slice %arg6[%dma_wait3A_258, %dma_wait3A_267, %dma_wait3A_268] : memref<4x128x64xf32, #tpu.memory_space<vmem>> -> memref<1x128x64xf32, #tpu.memory_space<vmem>>
          %dma_wait3A_270 = tpu.memref_squeeze %dma_wait3A_269 : memref<1x128x64xf32, #tpu.memory_space<vmem>> -> memref<128x64xf32, #tpu.memory_space<vmem>>
          tpu.wait_dma2 semaphore(%arg12 : memref<!tpu.dma_semaphore, #tpu.memory_space<semaphore_mem>>) src(%dma_wait3A_270 : memref<128x64xf32, #tpu.memory_space<vmem>>) dst(%dma_wait3A_266 : memref<128x64xf32, #tpu.memory_space<hbm>>)
          %sub3A_271 = arith.constant 1 : i32
          %sub3A_272 = arith.subi %add3A_181, %sub3A_271 : i32
          %add3A_273 = arith.constant 4 : i32
          %add3A_274 = arith.addi %sub3A_272, %add3A_273 : i32
          %dma_start3A_275 = arith.constant 1 : i32
          %dma_start3A_276 = arith.constant 0 : i32
          %dma_start3A_277 = arith.constant 0 : i32
          %dma_start3A_278 = tpu.memref_slice %arg6[%dma_start3A_275, %dma_start3A_276, %dma_start3A_277] : memref<4x128x64xf32, #tpu.memory_space<vmem>> -> memref<1x128x64xf32, #tpu.memory_space<vmem>>
          %dma_start3A_279 = tpu.memref_squeeze %dma_start3A_278 : memref<1x128x64xf32, #tpu.memory_space<vmem>> -> memref<128x64xf32, #tpu.memory_space<vmem>>
          %dma_start3A_280 = arith.constant 0 : i32
          %dma_start3A_281 = tpu.memref_slice %arg5[%add3A_274, %dma_start3A_280] : memref<200x128xi32, #tpu.memory_space<vmem>> -> memref<1x128xi32, #tpu.memory_space<vmem>>
          %dma_start3A_282 = tpu.memref_squeeze %dma_start3A_281 : memref<1x128xi32, #tpu.memory_space<vmem>> -> memref<128xi32, #tpu.memory_space<vmem>>
          %dma_start3A_283 = arith.constant 0 : i32
          %dma_start3A_284 = arith.constant 0 : i32
          %dma_start3A_285 = tpu.memref_slice %arg3[%dma_start3A_283, %dma_start3A_284] : memref<1000000x64xf32, #tpu.memory_space<hbm>> -> memref<1000000x64xf32, #tpu.memory_space<hbm>>
          tpu.enqueue_indirect_dma source(%dma_start3A_285 : memref<1000000x64xf32, #tpu.memory_space<hbm>>) target(%dma_start3A_279 : memref<128x64xf32, #tpu.memory_space<vmem>>) offsets(%dma_start3A_282 : memref<128xi32, #tpu.memory_space<vmem>>) semaphore(%arg8 : memref<!tpu.dma_semaphore, #tpu.memory_space<semaphore_mem>>)
        } else {
        }
      } else {
      }
      %dma_wait3A_187 = arith.constant 2 : i32
      %dma_wait3A_188 = arith.constant 0 : i32
      %dma_wait3A_189 = arith.constant 0 : i32
      %dma_wait3A_190 = tpu.memref_slice %arg6[%dma_wait3A_187, %dma_wait3A_188, %dma_wait3A_189] : memref<4x128x64xf32, #tpu.memory_space<vmem>> -> memref<1x128x64xf32, #tpu.memory_space<vmem>>
      %dma_wait3A_191 = tpu.memref_squeeze %dma_wait3A_190 : memref<1x128x64xf32, #tpu.memory_space<vmem>> -> memref<128x64xf32, #tpu.memory_space<vmem>>
      %dma_wait3A_192 = arith.constant 0 : i32
      %dma_wait3A_193 = tpu.memref_slice %arg5[%add3A_181, %dma_wait3A_192] : memref<200x128xi32, #tpu.memory_space<vmem>> -> memref<1x128xi32, #tpu.memory_space<vmem>>
      %dma_wait3A_194 = tpu.memref_squeeze %dma_wait3A_193 : memref<1x128xi32, #tpu.memory_space<vmem>> -> memref<128xi32, #tpu.memory_space<vmem>>
      %dma_wait3A_195 = arith.constant 0 : i32
      %dma_wait3A_196 = arith.constant 0 : i32
      %dma_wait3A_197 = tpu.memref_slice %arg3[%dma_wait3A_195, %dma_wait3A_196] : memref<1000000x64xf32, #tpu.memory_space<hbm>> -> memref<1000000x64xf32, #tpu.memory_space<hbm>>
      tpu.wait_indirect_dma semaphore(%arg9 : memref<!tpu.dma_semaphore, #tpu.memory_space<semaphore_mem>>) src(%dma_wait3A_197 : memref<1000000x64xf32, #tpu.memory_space<hbm>>) dst(%dma_wait3A_191 : memref<128x64xf32, #tpu.memory_space<vmem>>)
      %mul3A_198 = arith.constant 128 : i32
      %mul3A_199 = arith.muli %add3A_181, %mul3A_198 : i32
      %add3A_200 = arith.addi %mul3A_2, %mul3A_199 : i32
      %dma_start3A_201 = arith.constant 2 : i32
      %dma_start3A_202 = arith.constant 0 : i32
      %dma_start3A_203 = arith.constant 0 : i32
      %dma_start3A_204 = tpu.memref_slice %arg6[%dma_start3A_201, %dma_start3A_202, %dma_start3A_203] : memref<4x128x64xf32, #tpu.memory_space<vmem>> -> memref<1x128x64xf32, #tpu.memory_space<vmem>>
      %dma_start3A_205 = tpu.memref_squeeze %dma_start3A_204 : memref<1x128x64xf32, #tpu.memory_space<vmem>> -> memref<128x64xf32, #tpu.memory_space<vmem>>
      %dma_start3A_206 = arith.constant 0 : i32
      %dma_start3A_207 = tpu.memref_slice %arg4[%add3A_200, %dma_start3A_206] : memref<819200x64xf32, #tpu.memory_space<hbm>> -> memref<128x64xf32, #tpu.memory_space<hbm>>
      %dma_start3A_208 = arith.constant 0 : i32
      %dma_start3A_209 = tpu.memref_slice %arg4[%add3A_200, %dma_start3A_208] : memref<819200x64xf32, #tpu.memory_space<hbm>> -> memref<128x64xf32, #tpu.memory_space<hbm>>
      %dma_start3A_210 = arith.constant 0 : i32
      %dma_start3A_211 = arith.constant 0 : i32
      %dma_start3A_212 = tpu.memref_slice %arg6[%dma_start3A_201, %dma_start3A_210, %dma_start3A_211] : memref<4x128x64xf32, #tpu.memory_space<vmem>> -> memref<1x128x64xf32, #tpu.memory_space<vmem>>
      %dma_start3A_213 = tpu.memref_squeeze %dma_start3A_212 : memref<1x128x64xf32, #tpu.memory_space<vmem>> -> memref<128x64xf32, #tpu.memory_space<vmem>>
      tpu.enqueue_dma source(%dma_start3A_213 : memref<128x64xf32, #tpu.memory_space<vmem>>) target(%dma_start3A_209 : memref<128x64xf32, #tpu.memory_space<hbm>>) target_semaphore(%arg13 : memref<!tpu.dma_semaphore, #tpu.memory_space<semaphore_mem>>)
      %mul3A_214 = arith.constant 4 : i32
      %mul3A_215 = arith.muli %scan3A_107, %mul3A_214 : i32
      %add3A_216 = arith.constant 3 : i32
      %add3A_217 = arith.addi %mul3A_215, %add3A_216 : i32
      %ge3A_218 = arith.constant 1 : i32
      %ge3A_219 = arith.cmpi sge, %add3A_217, %ge3A_218 : i32
      %convert_element_type3A_220 = arith.extui %ge3A_219 : i1 to i32
      %cond3A_221 = arith.constant 0 : i32
      %cond3A_222 = arith.cmpi ne, %convert_element_type3A_220, %cond3A_221 : i32
      scf.if %cond3A_222 {
        %sub3A = arith.constant 1 : i32
        %sub3A_251 = arith.subi %add3A_217, %sub3A : i32
        %add3A_252 = arith.constant 4 : i32
        %add3A_253 = arith.addi %sub3A_251, %add3A_252 : i32
        %lt3A = arith.constant 200 : i32
        %lt3A_254 = arith.cmpi slt, %add3A_253, %lt3A : i32
        %convert_element_type3A_255 = arith.extui %lt3A_254 : i1 to i32
        %cond3A_256 = arith.constant 0 : i32
        %cond3A_257 = arith.cmpi ne, %convert_element_type3A_255, %cond3A_256 : i32
        scf.if %cond3A_257 {
          %dma_wait3A_258 = arith.constant 2 : i32
          %dma_wait3A_259 = arith.constant 0 : i32
          %dma_wait3A_260 = arith.constant 0 : i32
          %dma_wait3A_261 = tpu.memref_slice %arg6[%dma_wait3A_258, %dma_wait3A_259, %dma_wait3A_260] : memref<4x128x64xf32, #tpu.memory_space<vmem>> -> memref<1x128x64xf32, #tpu.memory_space<vmem>>
          %dma_wait3A_262 = tpu.memref_squeeze %dma_wait3A_261 : memref<1x128x64xf32, #tpu.memory_space<vmem>> -> memref<128x64xf32, #tpu.memory_space<vmem>>
          %dma_wait3A_263 = arith.constant 0 : i32
          %dma_wait3A_264 = tpu.memref_slice %arg4[%mul3A_2, %dma_wait3A_263] : memref<819200x64xf32, #tpu.memory_space<hbm>> -> memref<128x64xf32, #tpu.memory_space<hbm>>
          %dma_wait3A_265 = arith.constant 0 : i32
          %dma_wait3A_266 = tpu.memref_slice %arg4[%mul3A_2, %dma_wait3A_265] : memref<819200x64xf32, #tpu.memory_space<hbm>> -> memref<128x64xf32, #tpu.memory_space<hbm>>
          %dma_wait3A_267 = arith.constant 0 : i32
          %dma_wait3A_268 = arith.constant 0 : i32
          %dma_wait3A_269 = tpu.memref_slice %arg6[%dma_wait3A_258, %dma_wait3A_267, %dma_wait3A_268] : memref<4x128x64xf32, #tpu.memory_space<vmem>> -> memref<1x128x64xf32, #tpu.memory_space<vmem>>
          %dma_wait3A_270 = tpu.memref_squeeze %dma_wait3A_269 : memref<1x128x64xf32, #tpu.memory_space<vmem>> -> memref<128x64xf32, #tpu.memory_space<vmem>>
          tpu.wait_dma2 semaphore(%arg13 : memref<!tpu.dma_semaphore, #tpu.memory_space<semaphore_mem>>) src(%dma_wait3A_270 : memref<128x64xf32, #tpu.memory_space<vmem>>) dst(%dma_wait3A_266 : memref<128x64xf32, #tpu.memory_space<hbm>>)
          %sub3A_271 = arith.constant 1 : i32
          %sub3A_272 = arith.subi %add3A_217, %sub3A_271 : i32
          %add3A_273 = arith.constant 4 : i32
          %add3A_274 = arith.addi %sub3A_272, %add3A_273 : i32
          %dma_start3A_275 = arith.constant 2 : i32
          %dma_start3A_276 = arith.constant 0 : i32
          %dma_start3A_277 = arith.constant 0 : i32
          %dma_start3A_278 = tpu.memref_slice %arg6[%dma_start3A_275, %dma_start3A_276, %dma_start3A_277] : memref<4x128x64xf32, #tpu.memory_space<vmem>> -> memref<1x128x64xf32, #tpu.memory_space<vmem>>
          %dma_start3A_279 = tpu.memref_squeeze %dma_start3A_278 : memref<1x128x64xf32, #tpu.memory_space<vmem>> -> memref<128x64xf32, #tpu.memory_space<vmem>>
          %dma_start3A_280 = arith.constant 0 : i32
          %dma_start3A_281 = tpu.memref_slice %arg5[%add3A_274, %dma_start3A_280] : memref<200x128xi32, #tpu.memory_space<vmem>> -> memref<1x128xi32, #tpu.memory_space<vmem>>
          %dma_start3A_282 = tpu.memref_squeeze %dma_start3A_281 : memref<1x128xi32, #tpu.memory_space<vmem>> -> memref<128xi32, #tpu.memory_space<vmem>>
          %dma_start3A_283 = arith.constant 0 : i32
          %dma_start3A_284 = arith.constant 0 : i32
          %dma_start3A_285 = tpu.memref_slice %arg3[%dma_start3A_283, %dma_start3A_284] : memref<1000000x64xf32, #tpu.memory_space<hbm>> -> memref<1000000x64xf32, #tpu.memory_space<hbm>>
          tpu.enqueue_indirect_dma source(%dma_start3A_285 : memref<1000000x64xf32, #tpu.memory_space<hbm>>) target(%dma_start3A_279 : memref<128x64xf32, #tpu.memory_space<vmem>>) offsets(%dma_start3A_282 : memref<128xi32, #tpu.memory_space<vmem>>) semaphore(%arg9 : memref<!tpu.dma_semaphore, #tpu.memory_space<semaphore_mem>>)
        } else {
        }
      } else {
      }
      %dma_wait3A_223 = arith.constant 3 : i32
      %dma_wait3A_224 = arith.constant 0 : i32
      %dma_wait3A_225 = arith.constant 0 : i32
      %dma_wait3A_226 = tpu.memref_slice %arg6[%dma_wait3A_223, %dma_wait3A_224, %dma_wait3A_225] : memref<4x128x64xf32, #tpu.memory_space<vmem>> -> memref<1x128x64xf32, #tpu.memory_space<vmem>>
      %dma_wait3A_227 = tpu.memref_squeeze %dma_wait3A_226 : memref<1x128x64xf32, #tpu.memory_space<vmem>> -> memref<128x64xf32, #tpu.memory_space<vmem>>
      %dma_wait3A_228 = arith.constant 0 : i32
      %dma_wait3A_229 = tpu.memref_slice %arg5[%add3A_217, %dma_wait3A_228] : memref<200x128xi32, #tpu.memory_space<vmem>> -> memref<1x128xi32, #tpu.memory_space<vmem>>
      %dma_wait3A_230 = tpu.memref_squeeze %dma_wait3A_229 : memref<1x128xi32, #tpu.memory_space<vmem>> -> memref<128xi32, #tpu.memory_space<vmem>>
      %dma_wait3A_231 = arith.constant 0 : i32
      %dma_wait3A_232 = arith.constant 0 : i32
      %dma_wait3A_233 = tpu.memref_slice %arg3[%dma_wait3A_231, %dma_wait3A_232] : memref<1000000x64xf32, #tpu.memory_space<hbm>> -> memref<1000000x64xf32, #tpu.memory_space<hbm>>
      tpu.wait_indirect_dma semaphore(%arg10 : memref<!tpu.dma_semaphore, #tpu.memory_space<semaphore_mem>>) src(%dma_wait3A_233 : memref<1000000x64xf32, #tpu.memory_space<hbm>>) dst(%dma_wait3A_227 : memref<128x64xf32, #tpu.memory_space<vmem>>)
      %mul3A_234 = arith.constant 128 : i32
      %mul3A_235 = arith.muli %add3A_217, %mul3A_234 : i32
      %add3A_236 = arith.addi %mul3A_2, %mul3A_235 : i32
      %dma_start3A_237 = arith.constant 3 : i32
      %dma_start3A_238 = arith.constant 0 : i32
      %dma_start3A_239 = arith.constant 0 : i32
      %dma_start3A_240 = tpu.memref_slice %arg6[%dma_start3A_237, %dma_start3A_238, %dma_start3A_239] : memref<4x128x64xf32, #tpu.memory_space<vmem>> -> memref<1x128x64xf32, #tpu.memory_space<vmem>>
      %dma_start3A_241 = tpu.memref_squeeze %dma_start3A_240 : memref<1x128x64xf32, #tpu.memory_space<vmem>> -> memref<128x64xf32, #tpu.memory_space<vmem>>
      %dma_start3A_242 = arith.constant 0 : i32
      %dma_start3A_243 = tpu.memref_slice %arg4[%add3A_236, %dma_start3A_242] : memref<819200x64xf32, #tpu.memory_space<hbm>> -> memref<128x64xf32, #tpu.memory_space<hbm>>
      %dma_start3A_244 = arith.constant 0 : i32
      %dma_start3A_245 = tpu.memref_slice %arg4[%add3A_236, %dma_start3A_244] : memref<819200x64xf32, #tpu.memory_space<hbm>> -> memref<128x64xf32, #tpu.memory_space<hbm>>
      %dma_start3A_246 = arith.constant 0 : i32
      %dma_start3A_247 = arith.constant 0 : i32
      %dma_start3A_248 = tpu.memref_slice %arg6[%dma_start3A_237, %dma_start3A_246, %dma_start3A_247] : memref<4x128x64xf32, #tpu.memory_space<vmem>> -> memref<1x128x64xf32, #tpu.memory_space<vmem>>
      %dma_start3A_249 = tpu.memref_squeeze %dma_start3A_248 : memref<1x128x64xf32, #tpu.memory_space<vmem>> -> memref<128x64xf32, #tpu.memory_space<vmem>>
      tpu.enqueue_dma source(%dma_start3A_249 : memref<128x64xf32, #tpu.memory_space<vmem>>) target(%dma_start3A_245 : memref<128x64xf32, #tpu.memory_space<hbm>>) target_semaphore(%arg14 : memref<!tpu.dma_semaphore, #tpu.memory_space<semaphore_mem>>)
      %scan3A_250 = arith.constant 0 : i32
      scf.yield %scan3A_250 : i32
    }
    %scan3A_55 = arith.constant 50 : i32
    %dma_wait3A = arith.constant 0 : i32
    %dma_wait3A_56 = arith.constant 0 : i32
    %dma_wait3A_57 = arith.constant 0 : i32
    %dma_wait3A_58 = tpu.memref_slice %arg6[%dma_wait3A, %dma_wait3A_56, %dma_wait3A_57] : memref<4x128x64xf32, #tpu.memory_space<vmem>> -> memref<1x128x64xf32, #tpu.memory_space<vmem>>
    %dma_wait3A_59 = tpu.memref_squeeze %dma_wait3A_58 : memref<1x128x64xf32, #tpu.memory_space<vmem>> -> memref<128x64xf32, #tpu.memory_space<vmem>>
    %dma_wait3A_60 = arith.constant 0 : i32
    %dma_wait3A_61 = tpu.memref_slice %arg4[%mul3A_2, %dma_wait3A_60] : memref<819200x64xf32, #tpu.memory_space<hbm>> -> memref<128x64xf32, #tpu.memory_space<hbm>>
    %dma_wait3A_62 = arith.constant 0 : i32
    %dma_wait3A_63 = tpu.memref_slice %arg4[%mul3A_2, %dma_wait3A_62] : memref<819200x64xf32, #tpu.memory_space<hbm>> -> memref<128x64xf32, #tpu.memory_space<hbm>>
    %dma_wait3A_64 = arith.constant 0 : i32
    %dma_wait3A_65 = arith.constant 0 : i32
    %dma_wait3A_66 = tpu.memref_slice %arg6[%dma_wait3A, %dma_wait3A_64, %dma_wait3A_65] : memref<4x128x64xf32, #tpu.memory_space<vmem>> -> memref<1x128x64xf32, #tpu.memory_space<vmem>>
    %dma_wait3A_67 = tpu.memref_squeeze %dma_wait3A_66 : memref<1x128x64xf32, #tpu.memory_space<vmem>> -> memref<128x64xf32, #tpu.memory_space<vmem>>
    tpu.wait_dma2 semaphore(%arg11 : memref<!tpu.dma_semaphore, #tpu.memory_space<semaphore_mem>>) src(%dma_wait3A_67 : memref<128x64xf32, #tpu.memory_space<vmem>>) dst(%dma_wait3A_63 : memref<128x64xf32, #tpu.memory_space<hbm>>)
    %dma_wait3A_68 = arith.constant 1 : i32
    %dma_wait3A_69 = arith.constant 0 : i32
    %dma_wait3A_70 = arith.constant 0 : i32
    %dma_wait3A_71 = tpu.memref_slice %arg6[%dma_wait3A_68, %dma_wait3A_69, %dma_wait3A_70] : memref<4x128x64xf32, #tpu.memory_space<vmem>> -> memref<1x128x64xf32, #tpu.memory_space<vmem>>
    %dma_wait3A_72 = tpu.memref_squeeze %dma_wait3A_71 : memref<1x128x64xf32, #tpu.memory_space<vmem>> -> memref<128x64xf32, #tpu.memory_space<vmem>>
    %dma_wait3A_73 = arith.constant 0 : i32
    %dma_wait3A_74 = tpu.memref_slice %arg4[%mul3A_2, %dma_wait3A_73] : memref<819200x64xf32, #tpu.memory_space<hbm>> -> memref<128x64xf32, #tpu.memory_space<hbm>>
    %dma_wait3A_75 = arith.constant 0 : i32
    %dma_wait3A_76 = tpu.memref_slice %arg4[%mul3A_2, %dma_wait3A_75] : memref<819200x64xf32, #tpu.memory_space<hbm>> -> memref<128x64xf32, #tpu.memory_space<hbm>>
    %dma_wait3A_77 = arith.constant 0 : i32
    %dma_wait3A_78 = arith.constant 0 : i32
    %dma_wait3A_79 = tpu.memref_slice %arg6[%dma_wait3A_68, %dma_wait3A_77, %dma_wait3A_78] : memref<4x128x64xf32, #tpu.memory_space<vmem>> -> memref<1x128x64xf32, #tpu.memory_space<vmem>>
    %dma_wait3A_80 = tpu.memref_squeeze %dma_wait3A_79 : memref<1x128x64xf32, #tpu.memory_space<vmem>> -> memref<128x64xf32, #tpu.memory_space<vmem>>
    tpu.wait_dma2 semaphore(%arg12 : memref<!tpu.dma_semaphore, #tpu.memory_space<semaphore_mem>>) src(%dma_wait3A_80 : memref<128x64xf32, #tpu.memory_space<vmem>>) dst(%dma_wait3A_76 : memref<128x64xf32, #tpu.memory_space<hbm>>)
    %dma_wait3A_81 = arith.constant 2 : i32
    %dma_wait3A_82 = arith.constant 0 : i32
    %dma_wait3A_83 = arith.constant 0 : i32
    %dma_wait3A_84 = tpu.memref_slice %arg6[%dma_wait3A_81, %dma_wait3A_82, %dma_wait3A_83] : memref<4x128x64xf32, #tpu.memory_space<vmem>> -> memref<1x128x64xf32, #tpu.memory_space<vmem>>
    %dma_wait3A_85 = tpu.memref_squeeze %dma_wait3A_84 : memref<1x128x64xf32, #tpu.memory_space<vmem>> -> memref<128x64xf32, #tpu.memory_space<vmem>>
    %dma_wait3A_86 = arith.constant 0 : i32
    %dma_wait3A_87 = tpu.memref_slice %arg4[%mul3A_2, %dma_wait3A_86] : memref<819200x64xf32, #tpu.memory_space<hbm>> -> memref<128x64xf32, #tpu.memory_space<hbm>>
    %dma_wait3A_88 = arith.constant 0 : i32
    %dma_wait3A_89 = tpu.memref_slice %arg4[%mul3A_2, %dma_wait3A_88] : memref<819200x64xf32, #tpu.memory_space<hbm>> -> memref<128x64xf32, #tpu.memory_space<hbm>>
    %dma_wait3A_90 = arith.constant 0 : i32
    %dma_wait3A_91 = arith.constant 0 : i32
    %dma_wait3A_92 = tpu.memref_slice %arg6[%dma_wait3A_81, %dma_wait3A_90, %dma_wait3A_91] : memref<4x128x64xf32, #tpu.memory_space<vmem>> -> memref<1x128x64xf32, #tpu.memory_space<vmem>>
    %dma_wait3A_93 = tpu.memref_squeeze %dma_wait3A_92 : memref<1x128x64xf32, #tpu.memory_space<vmem>> -> memref<128x64xf32, #tpu.memory_space<vmem>>
    tpu.wait_dma2 semaphore(%arg13 : memref<!tpu.dma_semaphore, #tpu.memory_space<semaphore_mem>>) src(%dma_wait3A_93 : memref<128x64xf32, #tpu.memory_space<vmem>>) dst(%dma_wait3A_89 : memref<128x64xf32, #tpu.memory_space<hbm>>)
    %dma_wait3A_94 = arith.constant 3 : i32
    %dma_wait3A_95 = arith.constant 0 : i32
    %dma_wait3A_96 = arith.constant 0 : i32
    %dma_wait3A_97 = tpu.memref_slice %arg6[%dma_wait3A_94, %dma_wait3A_95, %dma_wait3A_96] : memref<4x128x64xf32, #tpu.memory_space<vmem>> -> memref<1x128x64xf32, #tpu.memory_space<vmem>>
    %dma_wait3A_98 = tpu.memref_squeeze %dma_wait3A_97 : memref<1x128x64xf32, #tpu.memory_space<vmem>> -> memref<128x64xf32, #tpu.memory_space<vmem>>
    %dma_wait3A_99 = arith.constant 0 : i32
    %dma_wait3A_100 = tpu.memref_slice %arg4[%mul3A_2, %dma_wait3A_99] : memref<819200x64xf32, #tpu.memory_space<hbm>> -> memref<128x64xf32, #tpu.memory_space<hbm>>
    %dma_wait3A_101 = arith.constant 0 : i32
    %dma_wait3A_102 = tpu.memref_slice %arg4[%mul3A_2, %dma_wait3A_101] : memref<819200x64xf32, #tpu.memory_space<hbm>> -> memref<128x64xf32, #tpu.memory_space<hbm>>
    %dma_wait3A_103 = arith.constant 0 : i32
    %dma_wait3A_104 = arith.constant 0 : i32
    %dma_wait3A_105 = tpu.memref_slice %arg6[%dma_wait3A_94, %dma_wait3A_103, %dma_wait3A_104] : memref<4x128x64xf32, #tpu.memory_space<vmem>> -> memref<1x128x64xf32, #tpu.memory_space<vmem>>
    %dma_wait3A_106 = tpu.memref_squeeze %dma_wait3A_105 : memref<1x128x64xf32, #tpu.memory_space<vmem>> -> memref<128x64xf32, #tpu.memory_space<vmem>>
    tpu.wait_dma2 semaphore(%arg14 : memref<!tpu.dma_semaphore, #tpu.memory_space<semaphore_mem>>) src(%dma_wait3A_106 : memref<128x64xf32, #tpu.memory_space<vmem>>) dst(%dma_wait3A_102 : memref<128x64xf32, #tpu.memory_space<hbm>>)
    return
  }
}

</mosaic_0001>

<sc_bundles>
// kernel: _gather_flat.3.cloned.1.call-start
scs
__scs_entry_jumppad:
0x0: {  	(pc) =	sbr.rel $0x88, $3  }
0x1: {  	(tag) =	ssettag $0x0;
	lr =	simm.s32 $0x1  }
0x2: {  	[smem:$0x3F9F] =	sst lr;
	_ =	strace $0xD0000000  }
0x3: {  	_ = 	snop  }
0x4: {  	_ = 	snop  }
0x5: {  	_ = 	snop  }
0x6: {  	_ = 	snop  }
0x7: {  	_ = 	snop  }
__scs_overlays_trampoline_lowered:
0x8: {  	[smem:$0x3FAE] =	sst s0  }
0x9: {  	[smem:$0x3FAF] =	sst s1  }
0xa: {  	[smem:$0x3FB0] =	sst s2  }
0xb: {  	[smem:$0x3FB1] =	sst s3  }
0xc: {  	[smem:$0x3FB2] =	sst s4  }
0xd: {  	[smem:$0x3FB3] =	sst s5  }
0xe: {  	[smem:$0x3FB4] =	sst s6  }
0xf: {  	[smem:$0x3FB5] =	sst s7  }
0x10: {  	[smem:$0x3FB6] =	sst s8  }
0x11: {  	[smem:$0x3FB7] =	sst s9;
	s0 =	simm.s32 @!p0 $0x0  }
0x12: {  	s1 =	sld [smem:$0x3F9D];
	s0 =	simm.s32 @p0 $0x1  }
0x13: {  	[smem:$0x3FB8] =	sst s0;
	s0 =	simm.s32 @!p1 $0x0  }
0x14: {  	s2 =	sld [smem:$0x3F9C];
	s0 =	simm.s32 @p1 $0x1  }
0x15: {  	[smem:$0x3FB9] =	sst s0;
	s0 =	simm.s32 @!p2 $0x0  }
0x16: {  	s3 =	sld [smem:$0x3FDB];
	s0 =	simm.s32 @p2 $0x1  }
0x17: {  	s4 =	simm.s32 $0x1BF5;
	[smem:$0x3FBB] =	sst s0  }
0x18: {  	s0 =	sld [smem:$0x3F9E];
	_ =	swait.ge [sflag:s4], $0x0  }
0x19: {  	s7 =	sld [smem:$0x3F9F]  }
0x1a: {  	s8 =	sadd.s32 $0xFFFFE003, lr  }
0x1b: {  	s9 =	sadd.s32 $0xFFFFFEF7, lr;
	s5 =	simm.s32 $0xFFFFFFFF;
	p2 =	slt.u32 s8, $0xFFFFF086  }
0x1c: {  	p1 =	slt.u32 s9, $0xF7A;
	s5 =	simm.s32 @!p2 $0x0  }
0x1d: {  	s5 =	simm.s32 @p1 $0x1;
	p0 =	seq.s32 s7, s2  }
0x1e: {  	s7 =	smul.u32 @!p0 $0xF7A, s2;
	p2 =	seq.s32 @!p0 s5, $0x0  }
0x1f: {  	s9 =	smul.u32 $0xF7A, s1;
	s8 =	simm.s32 @!p0 $0x1BF5;
	p2 =	por !p2, p0  }
0x20: {  	[sflag:s8] =	ssyncset.s32 @!p0 $0xFFFFF086;
	s6 =	sadd.s32 @!p0 s3, s7;
	s7 =	simm.s32 @!p0 $0x108  }
0x21: {  	s3 =	sadd.s32 s3, s9;
	s6 =	sadd.s32 @!p0 $0x88, s6;
	s7 =	simm.s32 @p2 $0x1082  }
0x22: {  	[simem:s7], [sflag:s8] =	dma.local @!p0 [hbm:s6], $0xF7A  }
0x23: {  	s9 =	sor.u32 $0xD0000000, s2;
	s6 =	simm.s32 $0x108;
	_ =	swait.ge @!p0 [sflag:s8], $0x0  }
0x24: {  	s3 =	sadd.s32 $0x88, s3;
	s6 =	simm.s32 @!p1 $0x1082;
	[sflag:s4] =	ssyncset.s32 $0xFFFFF086  }
0x25: {  	[simem:s6], [sflag:s4] =	dma.local [hbm:s3], $0xF7A  }
0x26: {  	[smem:$0x3F9F] =	sst s1;
	(tag) =	ssettag s2;
	_ =	strace s9  }
0x27: {  	s1 =	sld [smem:$0x3FAF]  }
0x28: {  	s2 =	sld [smem:$0x3FB0]  }
0x29: {  	s4 =	sld [smem:$0x3FB2]  }
0x2a: {  	p0 =	seq.s32 s5, $0x0;
	s5 =	sld [smem:$0x3FB3]  }
0x2b: {  	s6 =	sld [smem:$0x3FB4]  }
0x2c: {  	s7 =	sld [smem:$0x3FB5]  }
0x2d: {  	s3 =	simm.s32 $0x108;
	s8 =	sld [smem:$0x3FB6]  }
0x2e: {  	s3 =	simm.s32 @!p0 $0x1082;
	s9 =	sld [smem:$0x3FB7]  }
0x2f: {  	lr =	sadd.s32 s0, s3;
	s0 =	sld [smem:$0x3FAE]  }
0x30: {  	s3 =	sld [smem:$0x3FB1]  }
0x31: {  	[smem:$0x3FBA] =	sst s10  }
0x32: {  	s10 =	sld [smem:$0x3FB8];
	_ =	sdelay $0x3  }
0x33: {  	p0 =	seq.s32 s10, $0x1;
	s10 =	sld [smem:$0x3FBA];
	_ =	sdelay $0x3  }
0x34: {  	[smem:$0x3FBA] =	sst s10  }
0x35: {  	s10 =	sld [smem:$0x3FB9];
	_ =	sdelay $0x3  }
0x36: {  	p1 =	seq.s32 s10, $0x1;
	s10 =	sld [smem:$0x3FBA];
	_ =	sdelay $0x3  }
0x37: {  	[smem:$0x3FBA] =	sst s10  }
0x38: {  	s10 =	sld [smem:$0x3FBB]  }
0x39: {  	_ = 	snop;
	(pc) =	sbr.ind lr, $3  }
0x3a: {  	_ = 	snop  }
0x3b: {  	_ = 	snop  }
0x3c: {  	p2 =	seq.s32 s10, $0x1;
	s10 =	sld [smem:$0x3FBA]  }
0x3d: {  	_ =	shalt  }
0x3e: {  	_ =	shalt  }
0x3f: {  	_ =	shalt  }
0x40: {  	_ =	shalt  }
0x41: {  	_ =	shalt  }
0x42: {  	_ =	shalt  }
0x43: {  	_ =	shalt  }
0x44: {  	_ =	shalt  }
0x45: {  	_ =	shalt  }
0x46: {  	_ =	shalt  }
0x47: {  	_ =	shalt  }
0x48: {  	_ =	shalt  }
0x49: {  	_ =	shalt  }
0x4a: {  	_ =	shalt  }
0x4b: {  	_ =	shalt  }
0x4c: {  	_ =	shalt  }
0x4d: {  	_ =	shalt  }
0x4e: {  	_ =	shalt  }
0x4f: {  	_ =	shalt  }
0x50: {  	_ =	shalt  }
0x51: {  	_ =	shalt  }
0x52: {  	_ =	shalt  }
0x53: {  	_ =	shalt  }
0x54: {  	_ =	shalt  }
0x55: {  	_ =	shalt  }
0x56: {  	_ =	shalt  }
0x57: {  	_ =	shalt  }
0x58: {  	_ =	shalt  }
0x59: {  	_ =	shalt  }
0x5a: {  	_ =	shalt  }
0x5b: {  	_ =	shalt  }
0x5c: {  	_ =	shalt  }
0x5d: {  	_ =	shalt  }
0x5e: {  	_ =	shalt  }
0x5f: {  	_ =	shalt  }
0x60: {  	_ =	shalt  }
0x61: {  	_ =	shalt  }
0x62: {  	_ =	shalt  }
0x63: {  	_ =	shalt  }
0x64: {  	_ =	shalt  }
0x65: {  	_ =	shalt  }
0x66: {  	_ =	shalt  }
0x67: {  	_ =	shalt  }
0x68: {  	_ =	shalt  }
0x69: {  	_ =	shalt  }
0x6a: {  	_ =	shalt  }
0x6b: {  	_ =	shalt  }
0x6c: {  	_ =	shalt  }
0x6d: {  	_ =	shalt  }
0x6e: {  	_ =	shalt  }
0x6f: {  	_ =	shalt  }
0x70: {  	_ =	shalt  }
0x71: {  	_ =	shalt  }
0x72: {  	_ =	shalt  }
0x73: {  	_ =	shalt  }
0x74: {  	_ =	shalt  }
0x75: {  	_ =	shalt  }
0x76: {  	_ =	shalt  }
0x77: {  	_ =	shalt  }
0x78: {  	_ =	shalt  }
0x79: {  	_ =	shalt  }
0x7a: {  	_ =	shalt  }
0x7b: {  	_ =	shalt  }
0x7c: {  	_ =	shalt  }
0x7d: {  	_ =	shalt  }
0x7e: {  	_ =	shalt  }
0x7f: {  	_ =	shalt  }
0x80: {  	_ =	shalt  }
0x81: {  	_ =	shalt  }
0x82: {  	_ =	shalt  }
0x83: {  	_ =	shalt  }
0x84: {  	_ =	shalt  }
0x85: {  	_ =	shalt  }
0x86: {  	_ =	shalt  }
0x87: {  	_ =	shalt  }
.Lfunc_end0:
.L_simem_size_0:
called_computation.1_lowered:
.L_overlay_start_0:
0x88: {  	s2 =	sld [smem:$0x3FD9]  }
0x89: {  	s3 =	sld [smem:$0x3FFE];
	_ =	sdelay $0x1  }
0x8a: {  	s1 =	srdreg.scid  }
0x8b: {  	s0 =	sand.u32 $0x1, s1  }
0x8c: {  	s17 =	sshll.u32 s0, $0xA;
	s2 =	sadd.s32 s3, s2  }
0x8d: {  	s2 =	sadd.s32 s2, s17  }
0x8e: {  	[smem:$0x3FC6] =	sst s2  }
0x8f: {  	_ = 	snop  }
0x90: {  	s2 =	sld [smem:$0x3FC9]  }
0x91: {  	s18 =	sld [smem:$0x3FD0];
	(tm) =	ssettm $0x1  }
0x92: {  	s4 =	sld [smem:$0x3FFB];
	_ =	sdelay $0x3  }
0x93: {  	_ =	strace s4  }
0x94: {  	s4 =	sld [smem:$0x3FFC];
	_ =	sdelay $0x3  }
0x95: {  	_ =	strace s4  }
0x96: {  	s4 =	sld [smem:$0x3FFD];
	_ =	sdelay $0x3  }
0x97: {  	_ =	strace s4  }
0x98: {  	_ =	strace $0x8FFFFFFF  }
0x99: {  	s19 =	sld [smem:$0x3FDB];
	_ =	sdelay $0x1  }
0x9a: {  	s5 =	simm.s32 $_scs_section_size  }
0x9b: {  	s6 =	simm.s32 $_size__tile_overlayer_lowered;
	s7 =	simm.s32 $_tile_overlayer_lowered  }
0x9c: {  	s22 =	simm.s32 $0x1BFF;
	s21 =	sshll.u32 s7, $0x1;
	s4 =	sadd.s32 s5, s19  }
0x9d: {  	s8 =	simm.s32 $0x0;
	s20 =	sshll.u32 s6, $0x1;
	s6 =	sadd.s32 s21, s4  }
0x9e: {  	[timem:s8], [sflag:s22] =	dma.local [hbm:s6], s20  }
0x9f: {  	_ =	swait.ge [sflag:s22], s20  }
0xa0: {  	s5 =	ssub.s32 $0x0, s20;
	[sflag:s22] =	ssyncset.done $0x0  }
0xa1: {  	[sflag:s22] =	ssyncadd.s32 s5;
	_ =	sdelay $0x1  }
0xa2: {  	s23 =	simm.s32 $0x1B8B  }
0xa3: {  	_ =	swait.ge [sflag:s23], $0x1  }
0xa4: {  	[sflag:s23] =	ssyncset.done $0x0  }
0xa5: {  	s25 =	simm.s32 $0x1B8E;
	s24 =	sld [smem:$0x3FFE];
	[sflag:s23] =	ssyncadd.s32 $0xFFFFFFFF  }
0xa6: {  	s26 =	simm.s32 $execute0_lowered;
	[smem:$0x3FD2] =	sst s25  }
0xa7: {  	s6 =	sshll.u32 s26, $0x1;
	_ =	strace $0x80000046;
	[dreg:$0x1] =	wrdreg $0xFFFFFFFF  }
0xa8: {  	s28 =	simm.s32 $_size_execute0_lowered;
	s4 =	sadd.s32 s4, s6;
	[dreg:$0x0] =	wrdreg $0x0  }
0xa9: {  	s6 =	sshll.u32 s28, $0x1;
	[dreg:$0x2] =	wrdreg s4  }
0xaa: {  	[dreg:$0x3] =	wrdreg s6  }
0xab: {  	[dreg:$0x4] =	wrdreg $0xC0  }
0xac: {  	_ =	task [dreg:s8], $0x5FFFF  }
0xad: {  	[dreg:$0x1] =	wrdreg $0xFFFFFFFF  }
0xae: {  	[dreg:$0x0] =	wrdreg $0x60  }
0xaf: {  	[dreg:$0x2] =	wrdreg s2  }
0xb0: {  	[dreg:$0x3] =	wrdreg s24  }
0xb1: {  	[dreg:$0x4] =	wrdreg s18  }
0xb2: {  	[dreg:$0x5] =	wrdreg $0x9  }
0xb3: {  	_ =	task.clear_ibuf [dreg:s8], $0x6FFFF;
	_ =	strace $0x90000046  }
0xb4: {  	s29 =	simm.s32 $0x9;
	_ =	strace $0x80000048  }
0xb5: {  	_ =	swait.ge [sflag:s29], $0x1  }
0xb6: {  	[sflag:s29] =	ssyncadd.s32 $0xFFFFFFFF  }
0xb7: {  	_ =	strace $0x90000048  }
0xb8: {  	_ =	sfence  }
0xb9: {  	s30 =	sld [smem:$0x0];
	_ =	sdelay $0x2  }
0xba: {  	s31 =	sshll.u32 s1, $0xD;
	s1 =	sshrl.u32 s1, $0x2  }
0xbb: {  	s3 =	sand.u32 $0x4000, s31;
	s1 =	sadd.s32 s1, s30  }
0xbc: {  	s0 =	sor.u32 s3, s0;
	s1 =	sshll.u32 s1, $0x11  }
0xbd: {  	s0 =	sor.u32 s1, s0  }
0xbe: {  	s0 =	sadd.s32 $0x8F2B, s0  }
0xbf: {  	[sflag:s0] =	ssyncadd.remote.s32 $0x1  }
0xc0: {  	_ =	sfence.sel $0xFFFF  }
0xc1: {  	[dreg:$0x0] =	wrdreg $0xFFFFFFFF;
	(pc) =	sbr.abs _section_cstart, $3  }
0xc2: {  	[dreg:$0x1] =	wrdreg $0xFFFFFFFF  }
0xc3: {  	_ =	task.clear_ibuf [dreg:s8], $0x2FFFF;
	_ =	strace $0x9FFFFFFF  }
0xc4: {  	(tm) =	ssettm $0x7FFFFFFF  }
0xc5: {  	_ =	shalt  }
tec
execute0_lowered:
.L_overlay_start_1:
0x0: {  	(tag) =	ssettag $0x1  }
0x1: {  	s0 =	rddreg [dreg:$0x0]  }
0x2: {  	s1 =	rddreg [dreg:$0x1];
	s2 =	srdreg.scid  }
0x3: {  	s12 =	stileid.u32;
	s4 =	rddreg [dreg:$0x2];
	s28 =	simm.s32 $0x5  }
0x4: {  	s30 =	simm.s32 $0x2;
	s31 =	simm.s32 $0x6;
	s20 =	smul.u32 $0x320000, s12  }
0x5: {  	s29 =	simm.s32 $0x4;
	s5 =	sand.u32 $0x1, s2;
	s24 =	smul.u32 $0xC800, s12  }
0x6: {  	s3 =	sshll.u32 s12, $0x1;
	s2 =	simm.s32 $0x0;
	s11 =	smul.u32 $0x190000, s5  }
0x7: {  	s6 =	sor.u32 s5, s3;
	s17 =	ssub.s32 $0x2, s5;
	s5 =	smul.u32 $0x6400, s5  }
0x8: {  	[smem:$0x7FF] =	sst s2;
	s3 =	sadd.s32 $0xF42C00, s1;
	s7 =	smul.u32 $0x6400, s6  }
0x9: {  	_ =	strace $0x80000047;
	s8 =	sshrl.u32 s17, $0x1;
	s10 =	smul.u32 $0x190000, s6  }
0xa: {  	s18 =	smul.u32 $0x32000, s6;
	s1 =	ssub.s32 s17, s8;
	s5 =	sadd.s32 s5, s24  }
0xb: {  	s24 =	simm.s32 $0x0;
	s9 =	sshrl.u32 s7, $0x3;
	s19 =	sshll.u32 s7, $0x3  }
0xc: {  	s1 =	smax.u32 s1, $0x1;
	s21 =	sshrl.u32 s10, $0x3;
	s5 =	sshll.u32 s5, $0x3  }
0xd: {  	s0 =	sadd.s32 s0, s9;
	[dreg:$0x5] =	wrdreg s1;
	s22 =	sadd.s32 s19, s4  }
0xe: {  	s6 =	sadd.s32 s4, s21;
	s1 =	sadd.s32 s11, s20;
	s26 =	sadd.s32 s5, s4  }
0xf: {  	s19 =	simm.s32 $0x80;
	s20 =	simm.s32 $0x6400;
	s21 =	simm.s32 $0x8400  }
0x10: {  	[dreg:$0x4] =	wrdreg s0;
	s23 =	sadd.s32 $0x400, s22;
	s25 =	sadd.s32 $0x800, s22  }
0x11: {  	s9 =	sadd.s32 $0xC00, s22;
	s10 =	sadd.s32 $0x31000, s6;
	s0 =	sadd.s32 s4, s18  }
0x12: {  	s1 =	sor.u32 $0x8000, s1;
	s15 =	sadd.s32 $0x1C00, s26;
	s16 =	sadd.s32 $0x1800, s26  }
0x13: {  	s17 =	sadd.s32 $0x1400, s26;
	s18 =	simm.s32 $0x9;
	[dreg:$0x6] =	wrdreg s23  }
0x14: {  	s26 =	simm.s32 $0x1;
	s22 =	simm.s32 $0x7;
	[dreg:$0x7] =	wrdreg s25  }
0x15: {  	s11 =	sadd.s32 $0x31400, s0;
	s12 =	sadd.s32 $0x31800, s0;
	s1 =	sshrl.u32 s1, $0x3  }
0x16: {  	s13 =	sadd.s32 $0x31C00, s0;
	s23 =	simm.s32 $0xA400;
	s25 =	simm.s32 $0xC400  }
0x17: {  	s0 =	simm.s32 $0x3;
	s14 =	sadd.s32 s1, s4;
	s1 =	simm.s32 $0x8  }
.LBB2_1:
0x18: {  	s4 =	rddreg [dreg:$0x4]  }
0x19: {  	[tilespmem:s2], [sflag:$0x9] =	stream.linear.gather [hbm4b:s4+s2], $0x6400, $0x38;
	[tilespmem:$0xE400] =	vst v63  }
0x1a: {  	_ =	swait.ge [sflag:s18], $0x6400  }
0x1b: {  	[sflag:s18] =	ssyncset.done $0x0  }
0x1c: {  	[sflag:s18] =	ssyncadd.s32 $0xFFFF9C00  }
0x1d: {  	[tilespmem:s20], [sflag:$0x1] =	stream.indirect.gather [hbm4b:s3+s19], $0x40, s2, s19, $0xb8;
	[tilespmem:$0xE400] =	vst v63  }
0x1e: {  	_ = 	snop  }
0x1f: {  	[tilespmem:s21], [sflag:$0x2] =	stream.indirect.gather [hbm4b:s3+s19], $0x40, s19, s19, $0xb8;
	[tilespmem:$0xE400] =	vst v63  }
0x20: {  	s7 =	simm.s32 $0x100  }
0x21: {  	[tilespmem:s23], [sflag:$0x3] =	stream.indirect.gather [hbm4b:s3+s19], $0x40, s7, s19, $0xb8;
	[tilespmem:$0xE400] =	vst v63  }
0x22: {  	s8 =	simm.s32 $0x180  }
0x23: {  	[tilespmem:s25], [sflag:$0x4] =	stream.indirect.gather [hbm4b:s3+s19], $0x40, s8, s19, $0xb8;
	[tilespmem:$0xE400] =	vst v63  }
0x24: {  	_ =	swait.ge [sflag:s26], $0x2000  }
0x25: {  	[sflag:s26] =	ssyncset.done $0x0  }
0x26: {  	[sflag:s26] =	ssyncadd.s32 $0xFFFFE000  }
0x27: {  	[hbm4b:s6+s2] =	stream.linear.scatter [tilespmem:s20], [sflag:$0x5], $0x2000, $0x38;
	[tilespmem:$0xE400] =	vst v63  }
0x28: {  	_ =	swait.ge [sflag:s28], $0x2000  }
0x29: {  	[sflag:s28] =	ssyncset.done $0x0  }
0x2a: {  	s5 =	simm.s32 $0x200;
	[sflag:s28] =	ssyncadd.s32 $0xFFFFE000  }
0x2b: {  	[tilespmem:s20], [sflag:$0x1] =	stream.indirect.gather [hbm4b:s3+s19], $0x40, s5, s19, $0xb8;
	[tilespmem:$0xE400] =	vst v63  }
0x2c: {  	_ =	swait.ge [sflag:s30], $0x2000  }
0x2d: {  	[sflag:s30] =	ssyncset.done $0x0  }
0x2e: {  	s7 =	rddreg [dreg:$0x6];
	[sflag:s30] =	ssyncadd.s32 $0xFFFFE000  }
0x2f: {  	[hbm4b:s7+s2] =	stream.linear.scatter [tilespmem:s21], [sflag:$0x6], $0x2000, $0x38;
	[tilespmem:$0xE400] =	vst v63  }
0x30: {  	_ =	swait.ge [sflag:s31], $0x2000  }
0x31: {  	[sflag:s31] =	ssyncset.done $0x0  }
0x32: {  	s8 =	simm.s32 $0x280;
	[sflag:s31] =	ssyncadd.s32 $0xFFFFE000  }
0x33: {  	[tilespmem:s21], [sflag:$0x2] =	stream.indirect.gather [hbm4b:s3+s19], $0x40, s8, s19, $0xb8;
	[tilespmem:$0xE400] =	vst v63  }
0x34: {  	_ =	swait.ge [sflag:s0], $0x2000  }
0x35: {  	[sflag:s0] =	ssyncset.done $0x0  }
0x36: {  	s5 =	rddreg [dreg:$0x7];
	[sflag:s0] =	ssyncadd.s32 $0xFFFFE000  }
0x37: {  	[hbm4b:s5+s2] =	stream.linear.scatter [tilespmem:s23], [sflag:$0x7], $0x2000, $0x38;
	[tilespmem:$0xE400] =	vst v63  }
0x38: {  	_ =	swait.ge [sflag:s22], $0x2000  }
0x39: {  	[sflag:s22] =	ssyncset.done $0x0  }
0x3a: {  	s7 =	simm.s32 $0x300;
	[sflag:s22] =	ssyncadd.s32 $0xFFFFE000  }
0x3b: {  	[tilespmem:s23], [sflag:$0x3] =	stream.indirect.gather [hbm4b:s3+s19], $0x40, s7, s19, $0xb8;
	[tilespmem:$0xE400] =	vst v63  }
0x3c: {  	_ =	swait.ge [sflag:s29], $0x2000  }
0x3d: {  	[sflag:s29] =	ssyncset.done $0x0  }
0x3e: {  	[sflag:s29] =	ssyncadd.s32 $0xFFFFE000  }
0x3f: {  	[hbm4b:s9+s2] =	stream.linear.scatter [tilespmem:s25], [sflag:$0x8], $0x2000, $0x38;
	[tilespmem:$0xE400] =	vst v63  }
0x40: {  	_ =	swait.ge [sflag:s1], $0x2000  }
0x41: {  	[sflag:s1] =	ssyncset.done $0x0  }
0x42: {  	s8 =	simm.s32 $0x380;
	[sflag:s1] =	ssyncadd.s32 $0xFFFFE000  }
0x43: {  	[tilespmem:s25], [sflag:$0x4] =	stream.indirect.gather [hbm4b:s3+s19], $0x40, s8, s19, $0xb8;
	[tilespmem:$0xE400] =	vst v63  }
0x44: {  	_ =	swait.ge [sflag:s26], $0x2000  }
0x45: {  	[sflag:s26] =	ssyncset.done $0x0  }
0x46: {  	s5 =	sadd.s32 $0x0, s14;
	[sflag:s26] =	ssyncadd.s32 $0xFFFFE000  }
0x47: {  	[hbm4b:s5+s2] =	stream.linear.scatter [tilespmem:s20], [sflag:$0x5], $0x2000, $0x38;
	[tilespmem:$0xE400] =	vst v63  }
0x48: {  	_ =	swait.ge [sflag:s28], $0x2000  }
0x49: {  	[sflag:s28] =	ssyncset.done $0x0  }
0x4a: {  	s7 =	simm.s32 $0x400;
	[sflag:s28] =	ssyncadd.s32 $0xFFFFE000  }
0x4b: {  	[tilespmem:s20], [sflag:$0x1] =	stream.indirect.gather [hbm4b:s3+s19], $0x40, s7, s19, $0xb8;
	[tilespmem:$0xE400] =	vst v63  }
0x4c: {  	_ =	swait.ge [sflag:s30], $0x2000  }
0x4d: {  	[sflag:s30] =	ssyncset.done $0x0  }
0x4e: {  	s8 =	sadd.s32 $0x0, s17;
	[sflag:s30] =	ssyncadd.s32 $0xFFFFE000  }
0x4f: {  	[hbm4b:s8+s2] =	stream.linear.scatter [tilespmem:s21], [sflag:$0x6], $0x2000, $0x38;
	[tilespmem:$0xE400] =	vst v63  }
0x50: {  	_ =	swait.ge [sflag:s31], $0x2000  }
0x51: {  	[sflag:s31] =	ssyncset.done $0x0  }
0x52: {  	s5 =	simm.s32 $0x480;
	[sflag:s31] =	ssyncadd.s32 $0xFFFFE000  }
0x53: {  	[tilespmem:s21], [sflag:$0x2] =	stream.indirect.gather [hbm4b:s3+s19], $0x40, s5, s19, $0xb8;
	[tilespmem:$0xE400] =	vst v63  }
0x54: {  	_ =	swait.ge [sflag:s0], $0x2000  }
0x55: {  	[sflag:s0] =	ssyncset.done $0x0  }
0x56: {  	s7 =	sadd.s32 $0x0, s16;
	[sflag:s0] =	ssyncadd.s32 $0xFFFFE000  }
0x57: {  	[hbm4b:s7+s2] =	stream.linear.scatter [tilespmem:s23], [sflag:$0x7], $0x2000, $0x38;
	[tilespmem:$0xE400] =	vst v63  }
0x58: {  	_ =	swait.ge [sflag:s22], $0x2000  }
0x59: {  	[sflag:s22] =	ssyncset.done $0x0  }
0x5a: {  	s8 =	simm.s32 $0x500;
	[sflag:s22] =	ssyncadd.s32 $0xFFFFE000  }
0x5b: {  	[tilespmem:s23], [sflag:$0x3] =	stream.indirect.gather [hbm4b:s3+s19], $0x40, s8, s19, $0xb8;
	[tilespmem:$0xE400] =	vst v63  }
0x5c: {  	_ =	swait.ge [sflag:s29], $0x2000  }
0x5d: {  	s4 =	simm.s32 $0x1000;
	[sflag:s29] =	ssyncset.done $0x0  }
0x5e: {  	s5 =	simm.s32 $0x700;
	s7 =	sadd.s32 $0x0, s15;
	[sflag:s29] =	ssyncadd.s32 $0xFFFFE000  }
.LBB2_2:
0x5f: {  	[hbm4b:s7+s2] =	stream.linear.scatter [tilespmem:s25], [sflag:$0x8], $0x2000, $0x38;
	[tilespmem:$0xE400] =	vst v63  }
0x60: {  	s7 =	smov.u32 s4  }
0x61: {  	p0 =	sne.s32 s4, $0x2F000;
	s4 =	sadd.s32 $0x1000, s4;
	_ =	swait.ge [sflag:s1], $0x2000  }
0x62: {  	[sflag:s1] =	ssyncset.done $0x0  }
0x63: {  	s8 =	sadd.s32 $0xFFFFFE80, s5;
	[sflag:s1] =	ssyncadd.s32 $0xFFFFE000  }
0x64: {  	[tilespmem:s25], [sflag:$0x4] =	stream.indirect.gather [hbm4b:s3+s19], $0x40, s8, s19, $0xb8;
	[tilespmem:$0xE400] =	vst v63  }
0x65: {  	_ =	swait.ge [sflag:s26], $0x2000  }
0x66: {  	[sflag:s26] =	ssyncset.done $0x0  }
0x67: {  	s8 =	sadd.s32 s7, s14;
	[sflag:s26] =	ssyncadd.s32 $0xFFFFE000  }
0x68: {  	[hbm4b:s8+s2] =	stream.linear.scatter [tilespmem:s20], [sflag:$0x5], $0x2000, $0x38;
	[tilespmem:$0xE400] =	vst v63  }
0x69: {  	_ =	swait.ge [sflag:s28], $0x2000  }
0x6a: {  	[sflag:s28] =	ssyncset.done $0x0  }
0x6b: {  	s8 =	sadd.s32 $0xFFFFFF00, s5;
	[sflag:s28] =	ssyncadd.s32 $0xFFFFE000  }
0x6c: {  	[tilespmem:s20], [sflag:$0x1] =	stream.indirect.gather [hbm4b:s3+s19], $0x40, s8, s19, $0xb8;
	[tilespmem:$0xE400] =	vst v63  }
0x6d: {  	_ =	swait.ge [sflag:s30], $0x2000  }
0x6e: {  	[sflag:s30] =	ssyncset.done $0x0  }
0x6f: {  	s8 =	sadd.s32 s7, s17;
	[sflag:s30] =	ssyncadd.s32 $0xFFFFE000  }
0x70: {  	[hbm4b:s8+s2] =	stream.linear.scatter [tilespmem:s21], [sflag:$0x6], $0x2000, $0x38;
	[tilespmem:$0xE400] =	vst v63  }
0x71: {  	_ =	swait.ge [sflag:s31], $0x2000  }
0x72: {  	[sflag:s31] =	ssyncset.done $0x0  }
0x73: {  	s8 =	sadd.s32 $0xFFFFFF80, s5;
	[sflag:s31] =	ssyncadd.s32 $0xFFFFE000  }
0x74: {  	[tilespmem:s21], [sflag:$0x2] =	stream.indirect.gather [hbm4b:s3+s19], $0x40, s8, s19, $0xb8;
	[tilespmem:$0xE400] =	vst v63  }
0x75: {  	_ =	swait.ge [sflag:s0], $0x2000  }
0x76: {  	[sflag:s0] =	ssyncset.done $0x0  }
0x77: {  	s8 =	sadd.s32 s7, s16;
	[sflag:s0] =	ssyncadd.s32 $0xFFFFE000  }
0x78: {  	[hbm4b:s8+s2] =	stream.linear.scatter [tilespmem:s23], [sflag:$0x7], $0x2000, $0x38;
	[tilespmem:$0xE400] =	vst v63  }
0x79: {  	_ =	swait.ge [sflag:s22], $0x2000  }
0x7a: {  	[sflag:s22] =	ssyncset.done $0x0  }
.Ltmp0:
0x7b: {  	[sflag:s22] =	ssyncadd.s32 $0xFFFFE000;
	(pc) =	sbr.rel @p0 .LBB2_2-.Ltmp0, $4  }
0x7c: {  	[tilespmem:s23], [sflag:$0x3] =	stream.indirect.gather [hbm4b:s3+s19], $0x40, s5, s19, $0xb8;
	[tilespmem:$0xE400] =	vst v63  }
0x7d: {  	_ =	swait.ge [sflag:s29], $0x2000  }
0x7e: {  	[sflag:s29] =	ssyncset.done $0x0  }
0x7f: {  	s7 =	sadd.s32 s7, s15;
	s5 =	sadd.s32 $0x200, s5;
	[sflag:s29] =	ssyncadd.s32 $0xFFFFE000  }
0x80: {  	[hbm4b:s7+s2] =	stream.linear.scatter [tilespmem:s25], [sflag:$0x8], $0x2000, $0x38;
	[tilespmem:$0xE400] =	vst v63  }
0x81: {  	_ =	swait.ge [sflag:s1], $0x2000  }
0x82: {  	[sflag:s1] =	ssyncset.done $0x0  }
0x83: {  	s4 =	simm.s32 $0x6380;
	[sflag:s1] =	ssyncadd.s32 $0xFFFFE000  }
0x84: {  	[tilespmem:s25], [sflag:$0x4] =	stream.indirect.gather [hbm4b:s3+s19], $0x40, s4, s19, $0xb8;
	[tilespmem:$0xE400] =	vst v63  }
0x85: {  	_ =	swait.ge [sflag:s26], $0x2000  }
0x86: {  	[sflag:s26] =	ssyncset.done $0x0  }
0x87: {  	[sflag:s26] =	ssyncadd.s32 $0xFFFFE000  }
0x88: {  	[hbm4b:s10+s2] =	stream.linear.scatter [tilespmem:s20], [sflag:$0x5], $0x2000, $0x38;
	[tilespmem:$0xE400] =	vst v63  }
0x89: {  	_ =	swait.ge [sflag:s30], $0x2000  }
0x8a: {  	[sflag:s30] =	ssyncset.done $0x0  }
0x8b: {  	[sflag:s30] =	ssyncadd.s32 $0xFFFFE000  }
0x8c: {  	[hbm4b:s11+s2] =	stream.linear.scatter [tilespmem:s21], [sflag:$0x6], $0x2000, $0x38;
	[tilespmem:$0xE400] =	vst v63  }
0x8d: {  	_ =	swait.ge [sflag:s0], $0x2000  }
0x8e: {  	[sflag:s0] =	ssyncset.done $0x0  }
0x8f: {  	[sflag:s0] =	ssyncadd.s32 $0xFFFFE000  }
0x90: {  	[hbm4b:s12+s2] =	stream.linear.scatter [tilespmem:s23], [sflag:$0x7], $0x2000, $0x38;
	[tilespmem:$0xE400] =	vst v63  }
0x91: {  	_ =	swait.ge [sflag:s29], $0x2000  }
0x92: {  	[sflag:s29] =	ssyncset.done $0x0  }
0x93: {  	[sflag:s29] =	ssyncadd.s32 $0xFFFFE000  }
0x94: {  	[hbm4b:s13+s2] =	stream.linear.scatter [tilespmem:s25], [sflag:$0x8], $0x2000, $0x38;
	[tilespmem:$0xE400] =	vst v63  }
0x95: {  	_ =	swait.ge [sflag:s28], $0x2000  }
0x96: {  	[sflag:s28] =	ssyncset.done $0x0  }
0x97: {  	[sflag:s28] =	ssyncadd.s32 $0xFFFFE000  }
0x98: {  	_ =	swait.ge [sflag:s31], $0x2000  }
0x99: {  	[sflag:s31] =	ssyncset.done $0x0  }
0x9a: {  	[sflag:s31] =	ssyncadd.s32 $0xFFFFE000  }
0x9b: {  	_ =	swait.ge [sflag:s22], $0x2000  }
0x9c: {  	[sflag:s22] =	ssyncset.done $0x0  }
0x9d: {  	[sflag:s22] =	ssyncadd.s32 $0xFFFFE000  }
0x9e: {  	_ =	swait.ge [sflag:s1], $0x2000  }
0x9f: {  	s24 =	sadd.s32 $0x1, s24;
	s8 =	rddreg [dreg:$0x5]  }
0xa0: {  	p0 =	sne.s32 s24, s8  }
.Ltmp1:
0xa1: {  	_ = 	snop;
	(pc) =	sbr.rel @p0 .LBB2_1-.Ltmp1, $3  }
0xa2: {  	_ =	sdelay $0x1  }
0xa3: {  	[sflag:s1] =	ssyncset.done $0x0  }
0xa4: {  	[sflag:s1] =	ssyncadd.s32 $0xFFFFE000  }
0xa5: {  	_ =	sfence.sel $0x180000  }
0xa6: {  	[bflag:$0x0] =	sbarrier.arrive $0xFFFF  }
0xa7: {  	_ =	strace $0x90000047  }
0xa8: {  	s0 =	stileid.u32;
	[bflag:$0x2] =	sbarrier.arrive $0xFFFF  }
0xa9: {  	p0 =	sne.s32 s0, $0x0;
	s0 =	rddreg [dreg:$0x3]  }
0xaa: {  	s0 =	sadd.s32 @!p0 $0x100000, s0  }
0xab: {  	[sflag:s0] =	ssyncadd.tile.s32 @!p0 $0x1;
	_ =	shalt  }
.Lfunc_end2:
_tile_overlayer_lowered:
.L_overlay_start_2:
0xac: {  	(tag) =	ssettag $0x2  }
0xad: {  	s0 =	rddreg [dreg:$0x0];
	s2 =	stileid.u32  }
0xae: {  	s1 =	rddreg [dreg:$0x1];
	p0 =	sne.s32 s2, $0x0  }
0xaf: {  	s3 =	rddreg [dreg:$0x2];
	[bflag:$0x3] =	sbarrier.arrive $0xFFFF;
	s2 =	simm.s32 @!p0 $0x1C09  }
0xb0: {  	[timem:s3], [sflag:s2] =	dma.local @!p0 [hbm:s0], s1  }
0xb1: {  	s0 =	simm.s32 @!p0 $0x9  }
0xb2: {  	_ =	swait.ge @!p0 [sflag:s0], s1  }
0xb3: {  	s1 =	ssub.s32 @!p0 $0x0, s1;
	[sflag:s0] =	ssyncset.done @!p0 $0x0  }
0xb4: {  	[sflag:s0] =	ssyncadd.s32 @!p0 s1  }
0xb5: {  	[bflag:$0x3] =	sbarrier.arrive $0xFFFF  }
0xb6: {  	_ =	shalt  }

// kernel: sparse-core-data-format-call.cloned.1.call-start
scs
called_computation_lowered:
.L_overlay_start_0:
0x0: {  	s2 =	sld [smem:$0x3FD9]  }
0x1: {  	s3 =	sld [smem:$0x3FFE];
	_ =	sdelay $0x1  }
0x2: {  	s1 =	srdreg.scid  }
0x3: {  	s0 =	sand.u32 $0x1, s1  }
0x4: {  	s18 =	sshll.u32 s0, $0xA;
	s2 =	sadd.s32 s3, s2  }
0x5: {  	s2 =	sadd.s32 s2, s18  }
0x6: {  	[smem:$0x3FC6] =	sst s2  }
0x7: {  	_ = 	snop  }
0x8: {  	s2 =	sld [smem:$0x3FD0];
	(tm) =	ssettm $0x1  }
0x9: {  	s19 =	sld [smem:$0x3FFB];
	_ =	sdelay $0x3  }
0xa: {  	_ =	strace s19  }
0xb: {  	s3 =	sld [smem:$0x3FFC];
	_ =	sdelay $0x3  }
0xc: {  	_ =	strace s3  }
0xd: {  	s3 =	sld [smem:$0x3FFD];
	_ =	sdelay $0x3  }
0xe: {  	_ =	strace s3  }
0xf: {  	_ =	strace $0x8FFFFFFF  }
0x10: {  	s20 =	sld [smem:$0x3FDB];
	_ =	sdelay $0x1  }
0x11: {  	s4 =	simm.s32 $_scs_section_size  }
0x12: {  	s5 =	simm.s32 $_size__tile_overlayer_lowered;
	s6 =	simm.s32 $_tile_overlayer_lowered  }
0x13: {  	s23 =	simm.s32 $0x1BFF;
	s22 =	sshll.u32 s6, $0x1;
	s3 =	sadd.s32 s4, s20  }
0x14: {  	s7 =	simm.s32 $0x0;
	s21 =	sshll.u32 s5, $0x1;
	s5 =	sadd.s32 s22, s3  }
0x15: {  	[timem:s7], [sflag:s23] =	dma.local [hbm:s5], s21  }
0x16: {  	_ =	swait.ge [sflag:s23], s21  }
0x17: {  	s4 =	ssub.s32 $0x0, s21;
	[sflag:s23] =	ssyncset.done $0x0  }
0x18: {  	[sflag:s23] =	ssyncadd.s32 s4;
	_ =	sdelay $0x1  }
0x19: {  	s24 =	simm.s32 $0x1B8B  }
0x1a: {  	_ =	swait.ge [sflag:s24], $0x1  }
0x1b: {  	[sflag:s24] =	ssyncset.done $0x0  }
0x1c: {  	s26 =	simm.s32 $0x1B8E;
	s25 =	sld [smem:$0x3FFE];
	[sflag:s24] =	ssyncadd.s32 $0xFFFFFFFF  }
0x1d: {  	s27 =	simm.s32 $execute0_lowered;
	[smem:$0x3FD2] =	sst s26  }
0x1e: {  	s5 =	sshll.u32 s27, $0x1;
	_ =	strace $0x80000049;
	[dreg:$0x1] =	wrdreg $0xFFFFFFFF  }
0x1f: {  	s28 =	simm.s32 $_size_execute0_lowered;
	s3 =	sadd.s32 s3, s5;
	[dreg:$0x0] =	wrdreg $0x0  }
0x20: {  	s5 =	sshll.u32 s28, $0x1;
	[dreg:$0x2] =	wrdreg s3  }
0x21: {  	[dreg:$0x3] =	wrdreg s5  }
0x22: {  	[dreg:$0x4] =	wrdreg $0xC0  }
0x23: {  	_ =	task [dreg:s7], $0x5FFFF  }
0x24: {  	[dreg:$0x1] =	wrdreg $0xFFFFFFFF  }
0x25: {  	[dreg:$0x0] =	wrdreg $0x60  }
0x26: {  	[dreg:$0x2] =	wrdreg s25  }
0x27: {  	[dreg:$0x3] =	wrdreg s2  }
0x28: {  	[dreg:$0x4] =	wrdreg $0x9  }
0x29: {  	_ =	task.clear_ibuf [dreg:s7], $0x5FFFF;
	_ =	strace $0x90000049  }
0x2a: {  	s29 =	simm.s32 $0x9;
	_ =	strace $0x8000004B  }
0x2b: {  	_ =	swait.ge [sflag:s29], $0x1  }
0x2c: {  	[sflag:s29] =	ssyncadd.s32 $0xFFFFFFFF  }
0x2d: {  	_ =	strace $0x9000004B  }
0x2e: {  	_ =	sfence  }
0x2f: {  	s30 =	sld [smem:$0x0];
	_ =	sdelay $0x2  }
0x30: {  	s31 =	sshll.u32 s1, $0xD;
	s1 =	sshrl.u32 s1, $0x2  }
0x31: {  	s3 =	sand.u32 $0x4000, s31;
	s1 =	sadd.s32 s1, s30  }
0x32: {  	s0 =	sor.u32 s3, s0;
	s1 =	sshll.u32 s1, $0x11  }
0x33: {  	s0 =	sor.u32 s1, s0  }
0x34: {  	s0 =	sadd.s32 $0x8F2B, s0  }
0x35: {  	[sflag:s0] =	ssyncadd.remote.s32 $0x1  }
0x36: {  	_ =	sfence.sel $0xFFFF  }
0x37: {  	[dreg:$0x0] =	wrdreg $0xFFFFFFFF;
	(pc) =	sbr.abs _section_cstart, $3  }
0x38: {  	[dreg:$0x1] =	wrdreg $0xFFFFFFFF  }
0x39: {  	_ =	task.clear_ibuf [dreg:s7], $0x2FFFF;
	_ =	strace $0x9FFFFFFF  }
0x3a: {  	(tm) =	ssettm $0x7FFFFFFF  }
0x3b: {  	_ =	shalt  }
tec
execute0_lowered:
.L_overlay_start_1:
0x0: {  	(tag) =	ssettag $0x1  }
0x1: {  	s0 =	srdreg.scid  }
0x2: {  	s1 =	sshll.u32 s0, $0x4  }
0x3: {  	s4 =	rddreg [dreg:$0x0];
	s0 =	stileid.u32;
	s1 =	sand.u32 $0x10, s1  }
0x4: {  	s2 =	rddreg [dreg:$0x1];
	s7 =	simm.s32 $0x1;
	s1 =	sor.u32 s0, s1  }
0x5: {  	s8 =	simm.s32 $0x2;
	s11 =	simm.s32 $0x0;
	s3 =	sshll.u32 s1, $0x7  }
0x6: {  	s10 =	simm.s32 $0x0;
	s4 =	sadd.s32 $0x800, s4;
	s6 =	ssub.s32 $0xC8000, s3  }
.Ltmp0:
0x7: {  	s1 =	rddreg [dreg:$0x2];
	s5 =	sand.u32 $0xF80, s6;
	(pc) =	sbr.rel .LBB1_1-.Ltmp0, $4  }
0x8: {  	_ =	strace $0x8000004A;
	s9 =	smov.u32 s3;
	p0 =	sne.s32 s5, $0x0  }
0x9: {  	s6 =	sshrl.u32 s6, $0xC;
	s5 =	simm.s32 $0x1;
	s7 =	simm.s32 @!p0 $0x0  }
0xa: {  	[sflag:s5] =	ssyncpa.u1 $0x0;
	p0 =	por $0x0, $0x0;
	s6 =	sadd.s32 s7, s6  }
0xb: {  	[sflag:s8] =	ssyncpa.u1 $0x0;
	s8 =	simm.s32 $0x640000;
	s7 =	sadd.s32 $0x1, s6  }
.LBB1_4:
0xc: {  	s14 =	sshll.u32 s11, $0x3  }
0xd: {  	s30 =	sand.u32 $0x7F, s11;
	s15 =	sand.u32 $0xFFFFFC00, s14  }
0xe: {  	s11 =	sor.u32 s30, s15  }
0xf: {  	s15 =	smulhi.u32 $0x51EB851F, s11  }
0x10: {  	s14 =	smulhi.u32 $0x51EB851F, s14  }
0x11: {  	s15 =	sshrl.u32 s15, $0x12  }
0x12: {  	s14 =	sshrl.u32 s14, $0x12;
	s15 =	smul.u32 $0xC8000, s15  }
0x13: {  	s14 =	sand.u32 $0x3F, s14  }
0x14: {  	s14 =	smul.u32 $0x19000, s14;
	s11 =	ssub.s32 s11, s15  }
0x15: {  	[tilespmem:s13+$0x810 ss:$0x81] =	vst.msk $0xffff, v2;
	s15 =	sand.u32 $0x7, s11  }
0x16: {  	[tilespmem:s13+$0x1020 ss:$0x81] =	vst.msk $0xffff, v0;
	s14 =	sadd.s32 s2, s14;
	s11 =	sshrl.u32 s11, $0x3;
	s15 =	sshll.u32 s15, $0x12  }
0x17: {  	[tilespmem:s13+$0x0 ss:$0x81] =	vst.msk $0xffff, v1;
	s11 =	sadd.s32 s11, s14;
	s31 =	sor.u32 $0x400, s15  }
0x18: {  	[hbm4b:s11+s31] =	stream.strided.scatter [tilespmem:s12], [sflag:$0x2], $0x2000, s8, s31, $0x20;
	[tilespmem:$0x8080] =	vst v63  }
.LBB1_5:
0x19: {  	s13 =	sadd.s32 $0x1000, s9  }
0x1a: {  	p2 =	sgt.s32 s13, $0xC7FFF  }
0x1b: {  	s13 =	smov.u32 @p2 s3;
	p2 =	sne.s32 s10, s7  }
.Ltmp1:
0x1c: {  	p1 =	slt.u32 s10, $0x2;
	(pc) =	sbr.rel @!p2 .LBB1_6-.Ltmp1, $4  }
0x1d: {  	s12 =	simm.s32 @!p1 $0x2  }
0x1e: {  	s14 =	sadd.s32 $0x1, s10;
	_ =	swait.ge @!p1 [sflag:s12], $0x2000  }
0x1f: {  	s11 =	smov.u32 s9;
	p0 =	por !p0, !p0;
	[sflag:s12] =	ssyncset.done @!p1 $0x0  }
0x20: {  	s10 =	smov.u32 s14;
	s9 =	smov.u32 s13;
	[sflag:s12] =	ssyncadd.s32 @!p1 $0xFFFFE000  }
.LBB1_1:
0x21: {  	p1 =	sge.u32 s10, s6  }
0x22: {  	s12 =	sand.u32 @!p1 $0x1FFFFFF, s9  }
0x23: {  	s13 =	smulhi.u32 @!p1 $0x147AE15, s12;
	_ =	sdelay $0x1  }
0x24: {  	s13 =	sshrl.u32 @!p1 s13, $0xC  }
0x25: {  	s13 =	smul.u32 @!p1 $0xC8000, s13;
	_ =	sdelay $0x1  }
0x26: {  	s31 =	sadd.s32 $0xFFFFFFFF, s10;
	s14 =	sxor.u32 @!p1 $0xFFFFFFFF, s10;
	s12 =	ssub.s32 @!p1 s12, s13  }
0x27: {  	s15 =	simm.s32 @!p1 $0x80;
	s14 =	sshll.u32 @!p1 s14, $0xD;
	s12 =	sshll.u32 @!p1 s12, $0x4  }
0x28: {  	s13 =	sand.u32 @!p1 $0x2000, s14;
	s14 =	simm.s32 @!p1 $0x40;
	s12 =	sadd.s32 @!p1 s4, s12  }
0x29: {  	[tilespmem:s13], [sflag:$0x1] =	stream.strided.gather @!p1 [hbm4b:s12+s14], $0x2000, s15, s14, $0x38;
	[tilespmem:$0x8080] =	vst v63  }
0x2a: {  	p1 =	sge.u32 s31, s6  }
.Ltmp2:
0x2b: {  	_ = 	snop;
	(pc) =	sbr.rel @p1 .LBB1_5-.Ltmp2, $1  }
0x2c: {  	_ =	sdelay $0x3  }
0x2d: {  	s12 =	simm.s32 $0x1  }
0x2e: {  	_ =	swait.ge [sflag:s5], $0x2000;
	s12 =	simm.s32 @!p0 $0x0  }
0x2f: {  	[sflag:s5] =	ssyncset.done $0x0;
	s13 =	sshll.u32 s12, $0xD  }
0x30: {  	[sflag:s5] =	ssyncadd.s32 $0xFFFFE000;
	s16 =	sor.u32 $0x20, s13  }
0x31: {  	s12 =	smul.u32 $0x8100, s12;
	v3 =	vld [tilespmem:s16+$0x10]  }
0x32: {  	s30 =	sand.u32 $0x1, s10;
	v2 =	vld [tilespmem:s16+$0xFFFFFFF0]  }
0x33: {  	s13 =	smul.u32 $0x8100, s30;
	s12 =	sshrl.u32 s12, $0x2;
	v0 =	vld [tilespmem:s16+$0x0]  }
0x34: {  	v1 =	vld [tilespmem:s16+$0xFFFFFFE0];
	s14 =	sor.u32 $0x4000, s12  }
0x35: {  	s31 =	sshrl.u32 s13, $0x2;
	s13 =	sadd.s32 $0x0, s14  }
0x36: {  	s15 =	simm.s32 $0x4;
	s16 =	sadd.s32 $0x40, s16;
	s12 =	sor.u32 $0x4000, s31;
	[tilespmem:s13+$0x1830 ss:$0x81] =	vst.msk $0xffff, v3  }
.LBB1_3:
0x37: {  	v3 =	vld [tilespmem:s16+$0x10];
	p1 =	sne.s32 s15, $0x1FC;
	[tilespmem:s13+$0x810 ss:$0x81] =	vst.msk $0xffff, v2;
	s17 =	smov.u32 s15;
	s15 =	sadd.s32 $0x4, s15  }
.Ltmp3:
0x38: {  	v2 =	vld [tilespmem:s16+$0xFFFFFFF0];
	[tilespmem:s13+$0x1020 ss:$0x81] =	vst.msk $0xffff, v0;
	(pc) =	sbr.rel @p1 .LBB1_3-.Ltmp3, $4  }
0x39: {  	v0 =	vld [tilespmem:s16+$0x0];
	[tilespmem:s13+$0x0 ss:$0x81] =	vst.msk $0xffff, v1  }
0x3a: {  	s13 =	sshra.s32 s17, $0x2;
	v1 =	vld [tilespmem:s16+$0xFFFFFFE0]  }
0x3b: {  	s13 =	sadd.s32 s13, s14  }
0x3c: {  	s16 =	sadd.s32 $0x40, s16;
	[tilespmem:s13+$0x1830 ss:$0x81] =	vst.msk $0xffff, v3  }
.Ltmp4:
0x3d: {  	_ = 	snop;
	(pc) =	sbr.rel .LBB1_4-.Ltmp4, $1  }
0x3e: {  	_ =	sdelay $0x3  }
.LBB1_6:
0x3f: {  	_ =	sfence.sel $0x180000  }
0x40: {  	s2 =	simm.s32 $0x1;
	[bflag:$0x0] =	sbarrier.arrive $0xFFFF  }
0x41: {  	s31 =	simm.s32 $0x2;
	[sflag:s2] =	ssyncpa.u1 $0x1  }
0x42: {  	[sflag:s31] =	ssyncpa.u1 $0x1  }
0x43: {  	p0 =	sne.s32 s0, $0x0;
	_ =	strace $0x9000004A  }
0x44: {  	s0 =	sadd.s32 @!p0 $0x100000, s1;
	[bflag:$0x2] =	sbarrier.arrive $0xFFFF  }
0x45: {  	[sflag:s0] =	ssyncadd.tile.s32 @!p0 $0x1;
	_ =	shalt  }
.Lfunc_end1:
_tile_overlayer_lowered:
.L_overlay_start_2:
0x46: {  	(tag) =	ssettag $0x2  }
0x47: {  	s0 =	rddreg [dreg:$0x0];
	s2 =	stileid.u32  }
0x48: {  	s1 =	rddreg [dreg:$0x1];
	p0 =	sne.s32 s2, $0x0  }
0x49: {  	s3 =	rddreg [dreg:$0x2];
	[bflag:$0x3] =	sbarrier.arrive $0xFFFF;
	s2 =	simm.s32 @!p0 $0x1C01  }
0x4a: {  	[timem:s3], [sflag:s2] =	dma.local @!p0 [hbm:s0], s1  }
0x4b: {  	s0 =	simm.s32 @!p0 $0x1  }
0x4c: {  	_ =	swait.ge @!p0 [sflag:s0], s1  }
0x4d: {  	s1 =	ssub.s32 @!p0 $0x0, s1;
	[sflag:s0] =	ssyncset.done @!p0 $0x0  }
0x4e: {  	[sflag:s0] =	ssyncadd.s32 @!p0 s1  }
0x4f: {  	[bflag:$0x3] =	sbarrier.arrive $0xFFFF  }
0x50: {  	_ =	shalt  }

</sc_bundles>
